<compile_context>
chip_gen: v7x
topology: tpu7x:2x2x1
jax: 0.10.2.dev20260603
libtpu: 0.0.44.dev20260713+nightly
codegen_flags: <defaults>
</compile_context>

<pallas_src>
import functools

import jax
import jax.numpy as jnp
from jax import lax
from jax.experimental import pallas as pl
from jax.experimental.pallas import tpu as pltpu
from jax.experimental.pallas import tpu_sc as plsc

_UNROLL = 8
_NBQ = 4


@functools.lru_cache(maxsize=None)
def _build_gather(B, V, D):
    info = plsc.get_sparse_core_info()
    nc, ns, nl = info.num_cores, info.num_subcores, info.num_lanes
    nw = nc * ns
    d_per_w = D // nw
    half = B // 2
    bq = B // _NBQ
    step = nl * _UNROLL
    mesh = plsc.VectorSubcoreMesh(core_axis_name="c", subcore_axis_name="s")

    vh = (V // 2 + 127) // 128 * 128
    vparts = [(0, vh), (vh, V - vh)]

    @functools.partial(
        pl.kernel,
        mesh=mesh,
        out_type=jax.ShapeDtypeStruct((D, B), jnp.float32),
        scratch_types=[
            pltpu.VMEM((1, V), jnp.float32),
            pltpu.VMEM((half,), jnp.int32),
            pltpu.VMEM((half,), jnp.int32),
            pltpu.VMEM((1, bq), jnp.float32),
            pltpu.VMEM((1, bq), jnp.float32),
            pltpu.SemaphoreType.DMA,
            pltpu.SemaphoreType.DMA,
            pltpu.SemaphoreType.DMA,
            pltpu.SemaphoreType.DMA,
        ],
        compiler_params=pltpu.CompilerParams(needs_layout_passes=False),
    )
    def gather(idx_hbm, table_hbm, out_hbm, row_v, idx0_v, idx1_v,
               ob0_v, ob1_v, rsem0, rsem1, isem, wsem):
        wid = lax.axis_index("s") * nc + lax.axis_index("c")
        d0 = wid * d_per_w
        idxs = [idx0_v, idx1_v]
        obufs = [ob0_v, ob1_v]
        rsems = [rsem0, rsem1]
        zero = jnp.zeros((nl,), jnp.int32)

        def row_args(d, j):
            s, l = vparts[j]
            return (table_hbm.at[pl.ds(d, 1), pl.ds(s, l)],
                    row_v.at[pl.ds(0, 1), pl.ds(s, l)], rsems[j])

        def stage_row(d):
            pltpu.async_copy(*row_args(d, 0))
            pltpu.async_copy(*row_args(d, 1))

        def wait_row(d):
            pltpu.make_async_copy(*row_args(d, 0)).wait()
            pltpu.make_async_copy(*row_args(d, 1)).wait()

        stage_row(d0)
        for h in range(2):
            pltpu.async_copy(idx_hbm.at[pl.ds(h * half, half)],
                             idxs[h], isem)
        for h in range(2):
            pltpu.make_async_copy(idx_hbm.at[pl.ds(h * half, half)],
                                  idxs[h], isem).wait()

        pending = []
        it = 0
        for dd in range(d_per_w):
            d = d0 + dd
            wait_row(d)
            for q in range(_NBQ):
                idx_v = idxs[(q * bq) // half]
                off = (q * bq) % half
                obuf = obufs[it % 2]
                if it >= 2:
                    pltpu.make_async_copy(*pending[it - 2]).wait()

                def body(k, _):
                    base = k * step
                    ivs = [
                        idx_v[pl.ds(off + base + u * nl, nl)]
                        for u in range(_UNROLL)
                    ]
                    vals = [
                        plsc.load_gather(row_v, [zero, iv]) for iv in ivs
                    ]
                    for u in range(_UNROLL):
                        obuf[0, pl.ds(base + u * nl, nl)] = vals[u]
                    return _

                lax.fori_loop(0, bq // step, body, 0)
                if q == _NBQ - 1 and dd + 1 < d_per_w:
                    stage_row(d + 1)
                args = (obuf,
                        out_hbm.at[pl.ds(d, 1), pl.ds(q * bq, bq)], wsem)
                pltpu.async_copy(*args)
                pending.append(args)
                it += 1
        for t in range(max(0, it - 2), it):
            pltpu.make_async_copy(*pending[t]).wait()

    def run(inputs, embeddings):
        p = jnp.transpose(embeddings)
        out_t = gather(inputs.astype(jnp.int32), p)
        return jnp.transpose(out_t)[None]

    return run


def kernel(inputs, embeddings):
    B = inputs.shape[0]
    V, D = embeddings.shape
    return _build_gather(B, V, D)(inputs, embeddings)

# --- scband reference (transcript-rebuilt; emitter-appended) ---
"""Pipeline reference for scband-group-attention-20117626814562 (READ-ONLY COPY).

The authoritative reference and input builder live on the scoring server;
editing this copy changes nothing except your own understanding.
"""

import jax, jax.numpy as jnp
import numpy as np

N_GROUP = 100000
N_DIM = 64
BATCH = 16384

def setup_inputs(seed: int = 0) -> dict:
    key = jax.random.key(seed)
    k1, k2 = jax.random.split(key)
    inputs = jax.random.randint(k1, (BATCH,), 0, N_GROUP, dtype=jnp.int64 if jax.config.jax_enable_x64 else jnp.int32)
    # embeddings table: non-negative attention weights (constraint NonNegNorm / non_neg)
    embeddings = jax.random.uniform(k2, (N_GROUP, N_DIM), dtype=jnp.float32)
    return {"inputs": inputs, "embeddings": embeddings}

def reference(inputs, embeddings):
    # call: gather group-specific attention weights by group_id, then expand dims
    output = jnp.take(embeddings, inputs, axis=0)
    output = jnp.expand_dims(output, axis=0)
    return output

if __name__ == "__main__":
    import jax
    _d = setup_inputs()
    print(jax.jit(kernel)(*tuple(_d.values())))

</pallas_src>

<mosaic_0001>
#map = affine_map<(d0, d1) -> (0)>
#map1 = affine_map<(d0, d1) -> (0, 0)>
module attributes {stable_mosaic.version = 14 : i64} {
  func.func @gather(%arg0: i32, %arg1: i32, %arg2: memref<16384xi32, #tpu.memory_space<hbm>>, %arg3: memref<64x100000xf32, #tpu.memory_space<hbm>>, %arg4: memref<64x16384xf32, #tpu.memory_space<hbm>>, %arg5: memref<1x100000xf32, #tpu.memory_space<vmem>>, %arg6: memref<8192xi32, #tpu.memory_space<vmem>>, %arg7: memref<8192xi32, #tpu.memory_space<vmem>>, %arg8: memref<1x4096xf32, #tpu.memory_space<vmem>>, %arg9: memref<1x4096xf32, #tpu.memory_space<vmem>>, %arg10: memref<!tpu.dma_semaphore, #tpu.memory_space<semaphore_mem>>, %arg11: memref<!tpu.dma_semaphore, #tpu.memory_space<semaphore_mem>>, %arg12: memref<!tpu.dma_semaphore, #tpu.memory_space<semaphore_mem>>, %arg13: memref<!tpu.dma_semaphore, #tpu.memory_space<semaphore_mem>>) attributes {dimension_semantics = [#tpu.dimension_semantics<core_parallel>, #tpu.dimension_semantics<subcore_parallel>], iteration_bounds = array<i64: 2, 16>, scalar_prefetch = 0 : i64, scratch_operands = 9 : i64, tpu.core_type = #tpu.core_type<sc_vector_subcore>, window_params = [{transform_indices = #map}, {transform_indices = #map1}, {transform_indices = #map1}]} {
    %mul3A = arith.constant 2 : i32
    %mul3A_0 = arith.muli %arg1, %mul3A : i32
    %add3A = arith.addi %mul3A_0, %arg0 : i32
    %mul3A_1 = arith.constant 2 : i32
    %mul3A_2 = arith.muli %add3A, %mul3A_1 : i32
    %broadcast_in_dim3A = arith.constant 0 : i32
    %broadcast_in_dim3A_3 = vector.broadcast %broadcast_in_dim3A : i32 to vector<16xi32>
    %dma_start3A = arith.constant 0 : i32
    %dma_start3A_4 = arith.constant 0 : i32
    %dma_start3A_5 = tpu.memref_slice %arg5[%dma_start3A, %dma_start3A_4] : memref<1x100000xf32, #tpu.memory_space<vmem>> -> memref<1x50048xf32, #tpu.memory_space<vmem>>
    %dma_start3A_6 = arith.constant 0 : i32
    %dma_start3A_7 = tpu.memref_slice %arg3[%mul3A_2, %dma_start3A_6] : memref<64x100000xf32, #tpu.memory_space<hbm>> -> memref<1x50048xf32, #tpu.memory_space<hbm>>
    %dma_start3A_8 = arith.constant 0 : i32
    %dma_start3A_9 = arith.constant 0 : i32
    %dma_start3A_10 = tpu.memref_slice %arg5[%dma_start3A_8, %dma_start3A_9] : memref<1x100000xf32, #tpu.memory_space<vmem>> -> memref<1x50048xf32, #tpu.memory_space<vmem>>
    %dma_start3A_11 = arith.constant 0 : i32
    %dma_start3A_12 = tpu.memref_slice %arg3[%mul3A_2, %dma_start3A_11] : memref<64x100000xf32, #tpu.memory_space<hbm>> -> memref<1x50048xf32, #tpu.memory_space<hbm>>
    tpu.enqueue_dma source(%dma_start3A_12 : memref<1x50048xf32, #tpu.memory_space<hbm>>) target(%dma_start3A_10 : memref<1x50048xf32, #tpu.memory_space<vmem>>) target_semaphore(%arg10 : memref<!tpu.dma_semaphore, #tpu.memory_space<semaphore_mem>>)
    %dma_start3A_13 = arith.constant 0 : i32
    %dma_start3A_14 = arith.constant 50048 : i32
    %dma_start3A_15 = tpu.memref_slice %arg5[%dma_start3A_13, %dma_start3A_14] : memref<1x100000xf32, #tpu.memory_space<vmem>> -> memref<1x49952xf32, #tpu.memory_space<vmem>>
    %dma_start3A_16 = arith.constant 50048 : i32
    %dma_start3A_17 = tpu.memref_slice %arg3[%mul3A_2, %dma_start3A_16] : memref<64x100000xf32, #tpu.memory_space<hbm>> -> memref<1x49952xf32, #tpu.memory_space<hbm>>
    %dma_start3A_18 = arith.constant 0 : i32
    %dma_start3A_19 = arith.constant 50048 : i32
    %dma_start3A_20 = tpu.memref_slice %arg5[%dma_start3A_18, %dma_start3A_19] : memref<1x100000xf32, #tpu.memory_space<vmem>> -> memref<1x49952xf32, #tpu.memory_space<vmem>>
    %dma_start3A_21 = arith.constant 50048 : i32
    %dma_start3A_22 = tpu.memref_slice %arg3[%mul3A_2, %dma_start3A_21] : memref<64x100000xf32, #tpu.memory_space<hbm>> -> memref<1x49952xf32, #tpu.memory_space<hbm>>
    tpu.enqueue_dma source(%dma_start3A_22 : memref<1x49952xf32, #tpu.memory_space<hbm>>) target(%dma_start3A_20 : memref<1x49952xf32, #tpu.memory_space<vmem>>) target_semaphore(%arg11 : memref<!tpu.dma_semaphore, #tpu.memory_space<semaphore_mem>>)
    %dma_start3A_23 = arith.constant 0 : i32
    %dma_start3A_24 = tpu.memref_slice %arg2[%dma_start3A_23] : memref<16384xi32, #tpu.memory_space<hbm>> -> memref<8192xi32, #tpu.memory_space<hbm>>
    %dma_start3A_25 = arith.constant 0 : i32
    %dma_start3A_26 = tpu.memref_slice %arg2[%dma_start3A_25] : memref<16384xi32, #tpu.memory_space<hbm>> -> memref<8192xi32, #tpu.memory_space<hbm>>
    tpu.enqueue_dma source(%dma_start3A_26 : memref<8192xi32, #tpu.memory_space<hbm>>) target(%arg6 : memref<8192xi32, #tpu.memory_space<vmem>>) target_semaphore(%arg12 : memref<!tpu.dma_semaphore, #tpu.memory_space<semaphore_mem>>)
    %dma_start3A_27 = arith.constant 8192 : i32
    %dma_start3A_28 = tpu.memref_slice %arg2[%dma_start3A_27] : memref<16384xi32, #tpu.memory_space<hbm>> -> memref<8192xi32, #tpu.memory_space<hbm>>
    %dma_start3A_29 = arith.constant 8192 : i32
    %dma_start3A_30 = tpu.memref_slice %arg2[%dma_start3A_29] : memref<16384xi32, #tpu.memory_space<hbm>> -> memref<8192xi32, #tpu.memory_space<hbm>>
    tpu.enqueue_dma source(%dma_start3A_30 : memref<8192xi32, #tpu.memory_space<hbm>>) target(%arg7 : memref<8192xi32, #tpu.memory_space<vmem>>) target_semaphore(%arg12 : memref<!tpu.dma_semaphore, #tpu.memory_space<semaphore_mem>>)
    %dma_wait3A = arith.constant 0 : i32
    %dma_wait3A_31 = tpu.memref_slice %arg2[%dma_wait3A] : memref<16384xi32, #tpu.memory_space<hbm>> -> memref<8192xi32, #tpu.memory_space<hbm>>
    %dma_wait3A_32 = arith.constant 0 : i32
    %dma_wait3A_33 = tpu.memref_slice %arg2[%dma_wait3A_32] : memref<16384xi32, #tpu.memory_space<hbm>> -> memref<8192xi32, #tpu.memory_space<hbm>>
    tpu.wait_dma2 semaphore(%arg12 : memref<!tpu.dma_semaphore, #tpu.memory_space<semaphore_mem>>) src(%dma_wait3A_33 : memref<8192xi32, #tpu.memory_space<hbm>>) dst(%arg6 : memref<8192xi32, #tpu.memory_space<vmem>>)
    %dma_wait3A_34 = arith.constant 8192 : i32
    %dma_wait3A_35 = tpu.memref_slice %arg2[%dma_wait3A_34] : memref<16384xi32, #tpu.memory_space<hbm>> -> memref<8192xi32, #tpu.memory_space<hbm>>
    %dma_wait3A_36 = arith.constant 8192 : i32
    %dma_wait3A_37 = tpu.memref_slice %arg2[%dma_wait3A_36] : memref<16384xi32, #tpu.memory_space<hbm>> -> memref<8192xi32, #tpu.memory_space<hbm>>
    tpu.wait_dma2 semaphore(%arg12 : memref<!tpu.dma_semaphore, #tpu.memory_space<semaphore_mem>>) src(%dma_wait3A_37 : memref<8192xi32, #tpu.memory_space<hbm>>) dst(%arg7 : memref<8192xi32, #tpu.memory_space<vmem>>)
    %add3A_38 = arith.constant 0 : i32
    %add3A_39 = arith.addi %mul3A_2, %add3A_38 : i32
    %dma_wait3A_40 = arith.constant 0 : i32
    %dma_wait3A_41 = arith.constant 0 : i32
    %dma_wait3A_42 = tpu.memref_slice %arg5[%dma_wait3A_40, %dma_wait3A_41] : memref<1x100000xf32, #tpu.memory_space<vmem>> -> memref<1x50048xf32, #tpu.memory_space<vmem>>
    %dma_wait3A_43 = arith.constant 0 : i32
    %dma_wait3A_44 = tpu.memref_slice %arg3[%add3A_39, %dma_wait3A_43] : memref<64x100000xf32, #tpu.memory_space<hbm>> -> memref<1x50048xf32, #tpu.memory_space<hbm>>
    %dma_wait3A_45 = arith.constant 0 : i32
    %dma_wait3A_46 = arith.constant 0 : i32
    %dma_wait3A_47 = tpu.memref_slice %arg5[%dma_wait3A_45, %dma_wait3A_46] : memref<1x100000xf32, #tpu.memory_space<vmem>> -> memref<1x50048xf32, #tpu.memory_space<vmem>>
    %dma_wait3A_48 = arith.constant 0 : i32
    %dma_wait3A_49 = tpu.memref_slice %arg3[%add3A_39, %dma_wait3A_48] : memref<64x100000xf32, #tpu.memory_space<hbm>> -> memref<1x50048xf32, #tpu.memory_space<hbm>>
    tpu.wait_dma2 semaphore(%arg10 : memref<!tpu.dma_semaphore, #tpu.memory_space<semaphore_mem>>) src(%dma_wait3A_49 : memref<1x50048xf32, #tpu.memory_space<hbm>>) dst(%dma_wait3A_47 : memref<1x50048xf32, #tpu.memory_space<vmem>>)
    %dma_wait3A_50 = arith.constant 0 : i32
    %dma_wait3A_51 = arith.constant 50048 : i32
    %dma_wait3A_52 = tpu.memref_slice %arg5[%dma_wait3A_50, %dma_wait3A_51] : memref<1x100000xf32, #tpu.memory_space<vmem>> -> memref<1x49952xf32, #tpu.memory_space<vmem>>
    %dma_wait3A_53 = arith.constant 50048 : i32
    %dma_wait3A_54 = tpu.memref_slice %arg3[%add3A_39, %dma_wait3A_53] : memref<64x100000xf32, #tpu.memory_space<hbm>> -> memref<1x49952xf32, #tpu.memory_space<hbm>>
    %dma_wait3A_55 = arith.constant 0 : i32
    %dma_wait3A_56 = arith.constant 50048 : i32
    %dma_wait3A_57 = tpu.memref_slice %arg5[%dma_wait3A_55, %dma_wait3A_56] : memref<1x100000xf32, #tpu.memory_space<vmem>> -> memref<1x49952xf32, #tpu.memory_space<vmem>>
    %dma_wait3A_58 = arith.constant 50048 : i32
    %dma_wait3A_59 = tpu.memref_slice %arg3[%add3A_39, %dma_wait3A_58] : memref<64x100000xf32, #tpu.memory_space<hbm>> -> memref<1x49952xf32, #tpu.memory_space<hbm>>
    tpu.wait_dma2 semaphore(%arg11 : memref<!tpu.dma_semaphore, #tpu.memory_space<semaphore_mem>>) src(%dma_wait3A_59 : memref<1x49952xf32, #tpu.memory_space<hbm>>) dst(%dma_wait3A_57 : memref<1x49952xf32, #tpu.memory_space<vmem>>)
    %scan3A = arith.constant 0 : i32
    %scan3A_60 = arith.constant 0 : i32
    %scan3A_61 = arith.constant 32 : i32
    %scan3A_62 = arith.addi %scan3A_60, %scan3A_61 : i32
    %scan3A_63 = arith.constant 1 : i32
    scf.for %scan3A_215 = %scan3A_60 to %scan3A_62 step %scan3A_63  : i32 {
      %mul3A_216 = arith.constant 128 : i32
      %mul3A_217 = arith.muli %scan3A_215, %mul3A_216 : i32
      %add3A_218 = arith.constant 0 : i32
      %add3A_219 = arith.addi %add3A_218, %mul3A_217 : i32
      %add3A_220 = arith.constant 0 : i32
      %add3A_221 = arith.addi %add3A_219, %add3A_220 : i32
      %get3A = arith.index_cast %add3A_221 : i32 to index
      %get3A_222 = tpu.vector_load %arg6[%get3A] {strides = array<i32>} : memref<8192xi32, #tpu.memory_space<vmem>>, vector<16xi32>,
      %add3A_223 = arith.constant 0 : i32
      %add3A_224 = arith.addi %add3A_223, %mul3A_217 : i32
      %add3A_225 = arith.constant 16 : i32
      %add3A_226 = arith.addi %add3A_224, %add3A_225 : i32
      %get3A_227 = arith.index_cast %add3A_226 : i32 to index
      %get3A_228 = tpu.vector_load %arg6[%get3A_227] {strides = array<i32>} : memref<8192xi32, #tpu.memory_space<vmem>>, vector<16xi32>,
      %add3A_229 = arith.constant 0 : i32
      %add3A_230 = arith.addi %add3A_229, %mul3A_217 : i32
      %add3A_231 = arith.constant 32 : i32
      %add3A_232 = arith.addi %add3A_230, %add3A_231 : i32
      %get3A_233 = arith.index_cast %add3A_232 : i32 to index
      %get3A_234 = tpu.vector_load %arg6[%get3A_233] {strides = array<i32>} : memref<8192xi32, #tpu.memory_space<vmem>>, vector<16xi32>,
      %add3A_235 = arith.constant 0 : i32
      %add3A_236 = arith.addi %add3A_235, %mul3A_217 : i32
      %add3A_237 = arith.constant 48 : i32
      %add3A_238 = arith.addi %add3A_236, %add3A_237 : i32
      %get3A_239 = arith.index_cast %add3A_238 : i32 to index
      %get3A_240 = tpu.vector_load %arg6[%get3A_239] {strides = array<i32>} : memref<8192xi32, #tpu.memory_space<vmem>>, vector<16xi32>,
      %add3A_241 = arith.constant 0 : i32
      %add3A_242 = arith.addi %add3A_241, %mul3A_217 : i32
      %add3A_243 = arith.constant 64 : i32
      %add3A_244 = arith.addi %add3A_242, %add3A_243 : i32
      %get3A_245 = arith.index_cast %add3A_244 : i32 to index
      %get3A_246 = tpu.vector_load %arg6[%get3A_245] {strides = array<i32>} : memref<8192xi32, #tpu.memory_space<vmem>>, vector<16xi32>,
      %add3A_247 = arith.constant 0 : i32
      %add3A_248 = arith.addi %add3A_247, %mul3A_217 : i32
      %add3A_249 = arith.constant 80 : i32
      %add3A_250 = arith.addi %add3A_248, %add3A_249 : i32
      %get3A_251 = arith.index_cast %add3A_250 : i32 to index
      %get3A_252 = tpu.vector_load %arg6[%get3A_251] {strides = array<i32>} : memref<8192xi32, #tpu.memory_space<vmem>>, vector<16xi32>,
      %add3A_253 = arith.constant 0 : i32
      %add3A_254 = arith.addi %add3A_253, %mul3A_217 : i32
      %add3A_255 = arith.constant 96 : i32
      %add3A_256 = arith.addi %add3A_254, %add3A_255 : i32
      %get3A_257 = arith.index_cast %add3A_256 : i32 to index
      %get3A_258 = tpu.vector_load %arg6[%get3A_257] {strides = array<i32>} : memref<8192xi32, #tpu.memory_space<vmem>>, vector<16xi32>,
      %add3A_259 = arith.constant 0 : i32
      %add3A_260 = arith.addi %add3A_259, %mul3A_217 : i32
      %add3A_261 = arith.constant 112 : i32
      %add3A_262 = arith.addi %add3A_260, %add3A_261 : i32
      %get3A_263 = arith.index_cast %add3A_262 : i32 to index
      %get3A_264 = tpu.vector_load %arg6[%get3A_263] {strides = array<i32>} : memref<8192xi32, #tpu.memory_space<vmem>>, vector<16xi32>,
      %gather3A = tpu.vector_load_idx %arg5[%broadcast_in_dim3A_3, %get3A_222] : memref<1x100000xf32, #tpu.memory_space<vmem>>[vector<16xi32>, vector<16xi32>], vector<16xf32>,
      %gather3A_265 = tpu.vector_load_idx %arg5[%broadcast_in_dim3A_3, %get3A_228] : memref<1x100000xf32, #tpu.memory_space<vmem>>[vector<16xi32>, vector<16xi32>], vector<16xf32>,
      %gather3A_266 = tpu.vector_load_idx %arg5[%broadcast_in_dim3A_3, %get3A_234] : memref<1x100000xf32, #tpu.memory_space<vmem>>[vector<16xi32>, vector<16xi32>], vector<16xf32>,
      %gather3A_267 = tpu.vector_load_idx %arg5[%broadcast_in_dim3A_3, %get3A_240] : memref<1x100000xf32, #tpu.memory_space<vmem>>[vector<16xi32>, vector<16xi32>], vector<16xf32>,
      %gather3A_268 = tpu.vector_load_idx %arg5[%broadcast_in_dim3A_3, %get3A_246] : memref<1x100000xf32, #tpu.memory_space<vmem>>[vector<16xi32>, vector<16xi32>], vector<16xf32>,
      %gather3A_269 = tpu.vector_load_idx %arg5[%broadcast_in_dim3A_3, %get3A_252] : memref<1x100000xf32, #tpu.memory_space<vmem>>[vector<16xi32>, vector<16xi32>], vector<16xf32>,
      %gather3A_270 = tpu.vector_load_idx %arg5[%broadcast_in_dim3A_3, %get3A_258] : memref<1x100000xf32, #tpu.memory_space<vmem>>[vector<16xi32>, vector<16xi32>], vector<16xf32>,
      %gather3A_271 = tpu.vector_load_idx %arg5[%broadcast_in_dim3A_3, %get3A_264] : memref<1x100000xf32, #tpu.memory_space<vmem>>[vector<16xi32>, vector<16xi32>], vector<16xf32>,
      %add3A_272 = arith.constant 0 : i32
      %add3A_273 = arith.addi %mul3A_217, %add3A_272 : i32
      %swap3A = arith.constant 0 : i32
      %swap3A_274 = arith.index_cast %swap3A : i32 to index
      %swap3A_275 = arith.index_cast %add3A_273 : i32 to index
      %swap3A_276 = tpu.vector_load %arg8[%swap3A_274, %swap3A_275] {strides = array<i32>} : memref<1x4096xf32, #tpu.memory_space<vmem>>, vector<16xf32>,
      tpu.vector_store %arg8[%swap3A_274, %swap3A_275], %gather3A {strides = array<i32>} : memref<1x4096xf32, #tpu.memory_space<vmem>>, vector<16xf32>,
      %add3A_277 = arith.constant 16 : i32
      %add3A_278 = arith.addi %mul3A_217, %add3A_277 : i32
      %swap3A_279 = arith.constant 0 : i32
      %swap3A_280 = arith.index_cast %swap3A_279 : i32 to index
      %swap3A_281 = arith.index_cast %add3A_278 : i32 to index
      %swap3A_282 = tpu.vector_load %arg8[%swap3A_280, %swap3A_281] {strides = array<i32>} : memref<1x4096xf32, #tpu.memory_space<vmem>>, vector<16xf32>,
      tpu.vector_store %arg8[%swap3A_280, %swap3A_281], %gather3A_265 {strides = array<i32>} : memref<1x4096xf32, #tpu.memory_space<vmem>>, vector<16xf32>,
      %add3A_283 = arith.constant 32 : i32
      %add3A_284 = arith.addi %mul3A_217, %add3A_283 : i32
      %swap3A_285 = arith.constant 0 : i32
      %swap3A_286 = arith.index_cast %swap3A_285 : i32 to index
      %swap3A_287 = arith.index_cast %add3A_284 : i32 to index
      %swap3A_288 = tpu.vector_load %arg8[%swap3A_286, %swap3A_287] {strides = array<i32>} : memref<1x4096xf32, #tpu.memory_space<vmem>>, vector<16xf32>,
      tpu.vector_store %arg8[%swap3A_286, %swap3A_287], %gather3A_266 {strides = array<i32>} : memref<1x4096xf32, #tpu.memory_space<vmem>>, vector<16xf32>,
      %add3A_289 = arith.constant 48 : i32
      %add3A_290 = arith.addi %mul3A_217, %add3A_289 : i32
      %swap3A_291 = arith.constant 0 : i32
      %swap3A_292 = arith.index_cast %swap3A_291 : i32 to index
      %swap3A_293 = arith.index_cast %add3A_290 : i32 to index
      %swap3A_294 = tpu.vector_load %arg8[%swap3A_292, %swap3A_293] {strides = array<i32>} : memref<1x4096xf32, #tpu.memory_space<vmem>>, vector<16xf32>,
      tpu.vector_store %arg8[%swap3A_292, %swap3A_293], %gather3A_267 {strides = array<i32>} : memref<1x4096xf32, #tpu.memory_space<vmem>>, vector<16xf32>,
      %add3A_295 = arith.constant 64 : i32
      %add3A_296 = arith.addi %mul3A_217, %add3A_295 : i32
      %swap3A_297 = arith.constant 0 : i32
      %swap3A_298 = arith.index_cast %swap3A_297 : i32 to index
      %swap3A_299 = arith.index_cast %add3A_296 : i32 to index
      %swap3A_300 = tpu.vector_load %arg8[%swap3A_298, %swap3A_299] {strides = array<i32>} : memref<1x4096xf32, #tpu.memory_space<vmem>>, vector<16xf32>,
      tpu.vector_store %arg8[%swap3A_298, %swap3A_299], %gather3A_268 {strides = array<i32>} : memref<1x4096xf32, #tpu.memory_space<vmem>>, vector<16xf32>,
      %add3A_301 = arith.constant 80 : i32
      %add3A_302 = arith.addi %mul3A_217, %add3A_301 : i32
      %swap3A_303 = arith.constant 0 : i32
      %swap3A_304 = arith.index_cast %swap3A_303 : i32 to index
      %swap3A_305 = arith.index_cast %add3A_302 : i32 to index
      %swap3A_306 = tpu.vector_load %arg8[%swap3A_304, %swap3A_305] {strides = array<i32>} : memref<1x4096xf32, #tpu.memory_space<vmem>>, vector<16xf32>,
      tpu.vector_store %arg8[%swap3A_304, %swap3A_305], %gather3A_269 {strides = array<i32>} : memref<1x4096xf32, #tpu.memory_space<vmem>>, vector<16xf32>,
      %add3A_307 = arith.constant 96 : i32
      %add3A_308 = arith.addi %mul3A_217, %add3A_307 : i32
      %swap3A_309 = arith.constant 0 : i32
      %swap3A_310 = arith.index_cast %swap3A_309 : i32 to index
      %swap3A_311 = arith.index_cast %add3A_308 : i32 to index
      %swap3A_312 = tpu.vector_load %arg8[%swap3A_310, %swap3A_311] {strides = array<i32>} : memref<1x4096xf32, #tpu.memory_space<vmem>>, vector<16xf32>,
      tpu.vector_store %arg8[%swap3A_310, %swap3A_311], %gather3A_270 {strides = array<i32>} : memref<1x4096xf32, #tpu.memory_space<vmem>>, vector<16xf32>,
      %add3A_313 = arith.constant 112 : i32
      %add3A_314 = arith.addi %mul3A_217, %add3A_313 : i32
      %swap3A_315 = arith.constant 0 : i32
      %swap3A_316 = arith.index_cast %swap3A_315 : i32 to index
      %swap3A_317 = arith.index_cast %add3A_314 : i32 to index
      %swap3A_318 = tpu.vector_load %arg8[%swap3A_316, %swap3A_317] {strides = array<i32>} : memref<1x4096xf32, #tpu.memory_space<vmem>>, vector<16xf32>,
      tpu.vector_store %arg8[%swap3A_316, %swap3A_317], %gather3A_271 {strides = array<i32>} : memref<1x4096xf32, #tpu.memory_space<vmem>>, vector<16xf32>,
    }
    %scan3A_64 = arith.constant 32 : i32
    %dma_start3A_65 = arith.constant 0 : i32
    %dma_start3A_66 = tpu.memref_slice %arg4[%add3A_39, %dma_start3A_65] : memref<64x16384xf32, #tpu.memory_space<hbm>> -> memref<1x4096xf32, #tpu.memory_space<hbm>>
    %dma_start3A_67 = arith.constant 0 : i32
    %dma_start3A_68 = tpu.memref_slice %arg4[%add3A_39, %dma_start3A_67] : memref<64x16384xf32, #tpu.memory_space<hbm>> -> memref<1x4096xf32, #tpu.memory_space<hbm>>
    tpu.enqueue_dma source(%arg8 : memref<1x4096xf32, #tpu.memory_space<vmem>>) target(%dma_start3A_68 : memref<1x4096xf32, #tpu.memory_space<hbm>>) target_semaphore(%arg13 : memref<!tpu.dma_semaphore, #tpu.memory_space<semaphore_mem>>)
    %scan3A_69 = arith.constant 0 : i32
    %scan3A_70 = arith.constant 0 : i32
    %scan3A_71 = arith.constant 32 : i32
    %scan3A_72 = arith.addi %scan3A_70, %scan3A_71 : i32
    %scan3A_73 = arith.constant 1 : i32
    scf.for %scan3A_215 = %scan3A_70 to %scan3A_72 step %scan3A_73  : i32 {
      %mul3A_216 = arith.constant 128 : i32
      %mul3A_217 = arith.muli %scan3A_215, %mul3A_216 : i32
      %add3A_218 = arith.constant 4096 : i32
      %add3A_219 = arith.addi %add3A_218, %mul3A_217 : i32
      %add3A_220 = arith.constant 0 : i32
      %add3A_221 = arith.addi %add3A_219, %add3A_220 : i32
      %get3A = arith.index_cast %add3A_221 : i32 to index
      %get3A_222 = tpu.vector_load %arg6[%get3A] {strides = array<i32>} : memref<8192xi32, #tpu.memory_space<vmem>>, vector<16xi32>,
      %add3A_223 = arith.constant 4096 : i32
      %add3A_224 = arith.addi %add3A_223, %mul3A_217 : i32
      %add3A_225 = arith.constant 16 : i32
      %add3A_226 = arith.addi %add3A_224, %add3A_225 : i32
      %get3A_227 = arith.index_cast %add3A_226 : i32 to index
      %get3A_228 = tpu.vector_load %arg6[%get3A_227] {strides = array<i32>} : memref<8192xi32, #tpu.memory_space<vmem>>, vector<16xi32>,
      %add3A_229 = arith.constant 4096 : i32
      %add3A_230 = arith.addi %add3A_229, %mul3A_217 : i32
      %add3A_231 = arith.constant 32 : i32
      %add3A_232 = arith.addi %add3A_230, %add3A_231 : i32
      %get3A_233 = arith.index_cast %add3A_232 : i32 to index
      %get3A_234 = tpu.vector_load %arg6[%get3A_233] {strides = array<i32>} : memref<8192xi32, #tpu.memory_space<vmem>>, vector<16xi32>,
      %add3A_235 = arith.constant 4096 : i32
      %add3A_236 = arith.addi %add3A_235, %mul3A_217 : i32
      %add3A_237 = arith.constant 48 : i32
      %add3A_238 = arith.addi %add3A_236, %add3A_237 : i32
      %get3A_239 = arith.index_cast %add3A_238 : i32 to index
      %get3A_240 = tpu.vector_load %arg6[%get3A_239] {strides = array<i32>} : memref<8192xi32, #tpu.memory_space<vmem>>, vector<16xi32>,
      %add3A_241 = arith.constant 4096 : i32
      %add3A_242 = arith.addi %add3A_241, %mul3A_217 : i32
      %add3A_243 = arith.constant 64 : i32
      %add3A_244 = arith.addi %add3A_242, %add3A_243 : i32
      %get3A_245 = arith.index_cast %add3A_244 : i32 to index
      %get3A_246 = tpu.vector_load %arg6[%get3A_245] {strides = array<i32>} : memref<8192xi32, #tpu.memory_space<vmem>>, vector<16xi32>,
      %add3A_247 = arith.constant 4096 : i32
      %add3A_248 = arith.addi %add3A_247, %mul3A_217 : i32
      %add3A_249 = arith.constant 80 : i32
      %add3A_250 = arith.addi %add3A_248, %add3A_249 : i32
      %get3A_251 = arith.index_cast %add3A_250 : i32 to index
      %get3A_252 = tpu.vector_load %arg6[%get3A_251] {strides = array<i32>} : memref<8192xi32, #tpu.memory_space<vmem>>, vector<16xi32>,
      %add3A_253 = arith.constant 4096 : i32
      %add3A_254 = arith.addi %add3A_253, %mul3A_217 : i32
      %add3A_255 = arith.constant 96 : i32
      %add3A_256 = arith.addi %add3A_254, %add3A_255 : i32
      %get3A_257 = arith.index_cast %add3A_256 : i32 to index
      %get3A_258 = tpu.vector_load %arg6[%get3A_257] {strides = array<i32>} : memref<8192xi32, #tpu.memory_space<vmem>>, vector<16xi32>,
      %add3A_259 = arith.constant 4096 : i32
      %add3A_260 = arith.addi %add3A_259, %mul3A_217 : i32
      %add3A_261 = arith.constant 112 : i32
      %add3A_262 = arith.addi %add3A_260, %add3A_261 : i32
      %get3A_263 = arith.index_cast %add3A_262 : i32 to index
      %get3A_264 = tpu.vector_load %arg6[%get3A_263] {strides = array<i32>} : memref<8192xi32, #tpu.memory_space<vmem>>, vector<16xi32>,
      %gather3A = tpu.vector_load_idx %arg5[%broadcast_in_dim3A_3, %get3A_222] : memref<1x100000xf32, #tpu.memory_space<vmem>>[vector<16xi32>, vector<16xi32>], vector<16xf32>,
      %gather3A_265 = tpu.vector_load_idx %arg5[%broadcast_in_dim3A_3, %get3A_228] : memref<1x100000xf32, #tpu.memory_space<vmem>>[vector<16xi32>, vector<16xi32>], vector<16xf32>,
      %gather3A_266 = tpu.vector_load_idx %arg5[%broadcast_in_dim3A_3, %get3A_234] : memref<1x100000xf32, #tpu.memory_space<vmem>>[vector<16xi32>, vector<16xi32>], vector<16xf32>,
      %gather3A_267 = tpu.vector_load_idx %arg5[%broadcast_in_dim3A_3, %get3A_240] : memref<1x100000xf32, #tpu.memory_space<vmem>>[vector<16xi32>, vector<16xi32>], vector<16xf32>,
      %gather3A_268 = tpu.vector_load_idx %arg5[%broadcast_in_dim3A_3, %get3A_246] : memref<1x100000xf32, #tpu.memory_space<vmem>>[vector<16xi32>, vector<16xi32>], vector<16xf32>,
      %gather3A_269 = tpu.vector_load_idx %arg5[%broadcast_in_dim3A_3, %get3A_252] : memref<1x100000xf32, #tpu.memory_space<vmem>>[vector<16xi32>, vector<16xi32>], vector<16xf32>,
      %gather3A_270 = tpu.vector_load_idx %arg5[%broadcast_in_dim3A_3, %get3A_258] : memref<1x100000xf32, #tpu.memory_space<vmem>>[vector<16xi32>, vector<16xi32>], vector<16xf32>,
      %gather3A_271 = tpu.vector_load_idx %arg5[%broadcast_in_dim3A_3, %get3A_264] : memref<1x100000xf32, #tpu.memory_space<vmem>>[vector<16xi32>, vector<16xi32>], vector<16xf32>,
      %add3A_272 = arith.constant 0 : i32
      %add3A_273 = arith.addi %mul3A_217, %add3A_272 : i32
      %swap3A = arith.constant 0 : i32
      %swap3A_274 = arith.index_cast %swap3A : i32 to index
      %swap3A_275 = arith.index_cast %add3A_273 : i32 to index
      %swap3A_276 = tpu.vector_load %arg9[%swap3A_274, %swap3A_275] {strides = array<i32>} : memref<1x4096xf32, #tpu.memory_space<vmem>>, vector<16xf32>,
      tpu.vector_store %arg9[%swap3A_274, %swap3A_275], %gather3A {strides = array<i32>} : memref<1x4096xf32, #tpu.memory_space<vmem>>, vector<16xf32>,
      %add3A_277 = arith.constant 16 : i32
      %add3A_278 = arith.addi %mul3A_217, %add3A_277 : i32
      %swap3A_279 = arith.constant 0 : i32
      %swap3A_280 = arith.index_cast %swap3A_279 : i32 to index
      %swap3A_281 = arith.index_cast %add3A_278 : i32 to index
      %swap3A_282 = tpu.vector_load %arg9[%swap3A_280, %swap3A_281] {strides = array<i32>} : memref<1x4096xf32, #tpu.memory_space<vmem>>, vector<16xf32>,
      tpu.vector_store %arg9[%swap3A_280, %swap3A_281], %gather3A_265 {strides = array<i32>} : memref<1x4096xf32, #tpu.memory_space<vmem>>, vector<16xf32>,
      %add3A_283 = arith.constant 32 : i32
      %add3A_284 = arith.addi %mul3A_217, %add3A_283 : i32
      %swap3A_285 = arith.constant 0 : i32
      %swap3A_286 = arith.index_cast %swap3A_285 : i32 to index
      %swap3A_287 = arith.index_cast %add3A_284 : i32 to index
      %swap3A_288 = tpu.vector_load %arg9[%swap3A_286, %swap3A_287] {strides = array<i32>} : memref<1x4096xf32, #tpu.memory_space<vmem>>, vector<16xf32>,
      tpu.vector_store %arg9[%swap3A_286, %swap3A_287], %gather3A_266 {strides = array<i32>} : memref<1x4096xf32, #tpu.memory_space<vmem>>, vector<16xf32>,
      %add3A_289 = arith.constant 48 : i32
      %add3A_290 = arith.addi %mul3A_217, %add3A_289 : i32
      %swap3A_291 = arith.constant 0 : i32
      %swap3A_292 = arith.index_cast %swap3A_291 : i32 to index
      %swap3A_293 = arith.index_cast %add3A_290 : i32 to index
      %swap3A_294 = tpu.vector_load %arg9[%swap3A_292, %swap3A_293] {strides = array<i32>} : memref<1x4096xf32, #tpu.memory_space<vmem>>, vector<16xf32>,
      tpu.vector_store %arg9[%swap3A_292, %swap3A_293], %gather3A_267 {strides = array<i32>} : memref<1x4096xf32, #tpu.memory_space<vmem>>, vector<16xf32>,
      %add3A_295 = arith.constant 64 : i32
      %add3A_296 = arith.addi %mul3A_217, %add3A_295 : i32
      %swap3A_297 = arith.constant 0 : i32
      %swap3A_298 = arith.index_cast %swap3A_297 : i32 to index
      %swap3A_299 = arith.index_cast %add3A_296 : i32 to index
      %swap3A_300 = tpu.vector_load %arg9[%swap3A_298, %swap3A_299] {strides = array<i32>} : memref<1x4096xf32, #tpu.memory_space<vmem>>, vector<16xf32>,
      tpu.vector_store %arg9[%swap3A_298, %swap3A_299], %gather3A_268 {strides = array<i32>} : memref<1x4096xf32, #tpu.memory_space<vmem>>, vector<16xf32>,
      %add3A_301 = arith.constant 80 : i32
      %add3A_302 = arith.addi %mul3A_217, %add3A_301 : i32
      %swap3A_303 = arith.constant 0 : i32
      %swap3A_304 = arith.index_cast %swap3A_303 : i32 to index
      %swap3A_305 = arith.index_cast %add3A_302 : i32 to index
      %swap3A_306 = tpu.vector_load %arg9[%swap3A_304, %swap3A_305] {strides = array<i32>} : memref<1x4096xf32, #tpu.memory_space<vmem>>, vector<16xf32>,
      tpu.vector_store %arg9[%swap3A_304, %swap3A_305], %gather3A_269 {strides = array<i32>} : memref<1x4096xf32, #tpu.memory_space<vmem>>, vector<16xf32>,
      %add3A_307 = arith.constant 96 : i32
      %add3A_308 = arith.addi %mul3A_217, %add3A_307 : i32
      %swap3A_309 = arith.constant 0 : i32
      %swap3A_310 = arith.index_cast %swap3A_309 : i32 to index
      %swap3A_311 = arith.index_cast %add3A_308 : i32 to index
      %swap3A_312 = tpu.vector_load %arg9[%swap3A_310, %swap3A_311] {strides = array<i32>} : memref<1x4096xf32, #tpu.memory_space<vmem>>, vector<16xf32>,
      tpu.vector_store %arg9[%swap3A_310, %swap3A_311], %gather3A_270 {strides = array<i32>} : memref<1x4096xf32, #tpu.memory_space<vmem>>, vector<16xf32>,
      %add3A_313 = arith.constant 112 : i32
      %add3A_314 = arith.addi %mul3A_217, %add3A_313 : i32
      %swap3A_315 = arith.constant 0 : i32
      %swap3A_316 = arith.index_cast %swap3A_315 : i32 to index
      %swap3A_317 = arith.index_cast %add3A_314 : i32 to index
      %swap3A_318 = tpu.vector_load %arg9[%swap3A_316, %swap3A_317] {strides = array<i32>} : memref<1x4096xf32, #tpu.memory_space<vmem>>, vector<16xf32>,
      tpu.vector_store %arg9[%swap3A_316, %swap3A_317], %gather3A_271 {strides = array<i32>} : memref<1x4096xf32, #tpu.memory_space<vmem>>, vector<16xf32>,
    }
    %scan3A_74 = arith.constant 32 : i32
    %dma_start3A_75 = arith.constant 4096 : i32
    %dma_start3A_76 = tpu.memref_slice %arg4[%add3A_39, %dma_start3A_75] : memref<64x16384xf32, #tpu.memory_space<hbm>> -> memref<1x4096xf32, #tpu.memory_space<hbm>>
    %dma_start3A_77 = arith.constant 4096 : i32
    %dma_start3A_78 = tpu.memref_slice %arg4[%add3A_39, %dma_start3A_77] : memref<64x16384xf32, #tpu.memory_space<hbm>> -> memref<1x4096xf32, #tpu.memory_space<hbm>>
    tpu.enqueue_dma source(%arg9 : memref<1x4096xf32, #tpu.memory_space<vmem>>) target(%dma_start3A_78 : memref<1x4096xf32, #tpu.memory_space<hbm>>) target_semaphore(%arg13 : memref<!tpu.dma_semaphore, #tpu.memory_space<semaphore_mem>>)
    %dma_wait3A_79 = arith.constant 0 : i32
    %dma_wait3A_80 = tpu.memref_slice %arg4[%add3A_39, %dma_wait3A_79] : memref<64x16384xf32, #tpu.memory_space<hbm>> -> memref<1x4096xf32, #tpu.memory_space<hbm>>
    %dma_wait3A_81 = arith.constant 0 : i32
    %dma_wait3A_82 = tpu.memref_slice %arg4[%add3A_39, %dma_wait3A_81] : memref<64x16384xf32, #tpu.memory_space<hbm>> -> memref<1x4096xf32, #tpu.memory_space<hbm>>
    tpu.wait_dma2 semaphore(%arg13 : memref<!tpu.dma_semaphore, #tpu.memory_space<semaphore_mem>>) src(%arg8 : memref<1x4096xf32, #tpu.memory_space<vmem>>) dst(%dma_wait3A_82 : memref<1x4096xf32, #tpu.memory_space<hbm>>)
    %scan3A_83 = arith.constant 0 : i32
    %scan3A_84 = arith.constant 0 : i32
    %scan3A_85 = arith.constant 32 : i32
    %scan3A_86 = arith.addi %scan3A_84, %scan3A_85 : i32
    %scan3A_87 = arith.constant 1 : i32
    scf.for %scan3A_215 = %scan3A_84 to %scan3A_86 step %scan3A_87  : i32 {
      %mul3A_216 = arith.constant 128 : i32
      %mul3A_217 = arith.muli %scan3A_215, %mul3A_216 : i32
      %add3A_218 = arith.constant 0 : i32
      %add3A_219 = arith.addi %add3A_218, %mul3A_217 : i32
      %add3A_220 = arith.constant 0 : i32
      %add3A_221 = arith.addi %add3A_219, %add3A_220 : i32
      %get3A = arith.index_cast %add3A_221 : i32 to index
      %get3A_222 = tpu.vector_load %arg7[%get3A] {strides = array<i32>} : memref<8192xi32, #tpu.memory_space<vmem>>, vector<16xi32>,
      %add3A_223 = arith.constant 0 : i32
      %add3A_224 = arith.addi %add3A_223, %mul3A_217 : i32
      %add3A_225 = arith.constant 16 : i32
      %add3A_226 = arith.addi %add3A_224, %add3A_225 : i32
      %get3A_227 = arith.index_cast %add3A_226 : i32 to index
      %get3A_228 = tpu.vector_load %arg7[%get3A_227] {strides = array<i32>} : memref<8192xi32, #tpu.memory_space<vmem>>, vector<16xi32>,
      %add3A_229 = arith.constant 0 : i32
      %add3A_230 = arith.addi %add3A_229, %mul3A_217 : i32
      %add3A_231 = arith.constant 32 : i32
      %add3A_232 = arith.addi %add3A_230, %add3A_231 : i32
      %get3A_233 = arith.index_cast %add3A_232 : i32 to index
      %get3A_234 = tpu.vector_load %arg7[%get3A_233] {strides = array<i32>} : memref<8192xi32, #tpu.memory_space<vmem>>, vector<16xi32>,
      %add3A_235 = arith.constant 0 : i32
      %add3A_236 = arith.addi %add3A_235, %mul3A_217 : i32
      %add3A_237 = arith.constant 48 : i32
      %add3A_238 = arith.addi %add3A_236, %add3A_237 : i32
      %get3A_239 = arith.index_cast %add3A_238 : i32 to index
      %get3A_240 = tpu.vector_load %arg7[%get3A_239] {strides = array<i32>} : memref<8192xi32, #tpu.memory_space<vmem>>, vector<16xi32>,
      %add3A_241 = arith.constant 0 : i32
      %add3A_242 = arith.addi %add3A_241, %mul3A_217 : i32
      %add3A_243 = arith.constant 64 : i32
      %add3A_244 = arith.addi %add3A_242, %add3A_243 : i32
      %get3A_245 = arith.index_cast %add3A_244 : i32 to index
      %get3A_246 = tpu.vector_load %arg7[%get3A_245] {strides = array<i32>} : memref<8192xi32, #tpu.memory_space<vmem>>, vector<16xi32>,
      %add3A_247 = arith.constant 0 : i32
      %add3A_248 = arith.addi %add3A_247, %mul3A_217 : i32
      %add3A_249 = arith.constant 80 : i32
      %add3A_250 = arith.addi %add3A_248, %add3A_249 : i32
      %get3A_251 = arith.index_cast %add3A_250 : i32 to index
      %get3A_252 = tpu.vector_load %arg7[%get3A_251] {strides = array<i32>} : memref<8192xi32, #tpu.memory_space<vmem>>, vector<16xi32>,
      %add3A_253 = arith.constant 0 : i32
      %add3A_254 = arith.addi %add3A_253, %mul3A_217 : i32
      %add3A_255 = arith.constant 96 : i32
      %add3A_256 = arith.addi %add3A_254, %add3A_255 : i32
      %get3A_257 = arith.index_cast %add3A_256 : i32 to index
      %get3A_258 = tpu.vector_load %arg7[%get3A_257] {strides = array<i32>} : memref<8192xi32, #tpu.memory_space<vmem>>, vector<16xi32>,
      %add3A_259 = arith.constant 0 : i32
      %add3A_260 = arith.addi %add3A_259, %mul3A_217 : i32
      %add3A_261 = arith.constant 112 : i32
      %add3A_262 = arith.addi %add3A_260, %add3A_261 : i32
      %get3A_263 = arith.index_cast %add3A_262 : i32 to index
      %get3A_264 = tpu.vector_load %arg7[%get3A_263] {strides = array<i32>} : memref<8192xi32, #tpu.memory_space<vmem>>, vector<16xi32>,
      %gather3A = tpu.vector_load_idx %arg5[%broadcast_in_dim3A_3, %get3A_222] : memref<1x100000xf32, #tpu.memory_space<vmem>>[vector<16xi32>, vector<16xi32>], vector<16xf32>,
      %gather3A_265 = tpu.vector_load_idx %arg5[%broadcast_in_dim3A_3, %get3A_228] : memref<1x100000xf32, #tpu.memory_space<vmem>>[vector<16xi32>, vector<16xi32>], vector<16xf32>,
      %gather3A_266 = tpu.vector_load_idx %arg5[%broadcast_in_dim3A_3, %get3A_234] : memref<1x100000xf32, #tpu.memory_space<vmem>>[vector<16xi32>, vector<16xi32>], vector<16xf32>,
      %gather3A_267 = tpu.vector_load_idx %arg5[%broadcast_in_dim3A_3, %get3A_240] : memref<1x100000xf32, #tpu.memory_space<vmem>>[vector<16xi32>, vector<16xi32>], vector<16xf32>,
      %gather3A_268 = tpu.vector_load_idx %arg5[%broadcast_in_dim3A_3, %get3A_246] : memref<1x100000xf32, #tpu.memory_space<vmem>>[vector<16xi32>, vector<16xi32>], vector<16xf32>,
      %gather3A_269 = tpu.vector_load_idx %arg5[%broadcast_in_dim3A_3, %get3A_252] : memref<1x100000xf32, #tpu.memory_space<vmem>>[vector<16xi32>, vector<16xi32>], vector<16xf32>,
      %gather3A_270 = tpu.vector_load_idx %arg5[%broadcast_in_dim3A_3, %get3A_258] : memref<1x100000xf32, #tpu.memory_space<vmem>>[vector<16xi32>, vector<16xi32>], vector<16xf32>,
      %gather3A_271 = tpu.vector_load_idx %arg5[%broadcast_in_dim3A_3, %get3A_264] : memref<1x100000xf32, #tpu.memory_space<vmem>>[vector<16xi32>, vector<16xi32>], vector<16xf32>,
      %add3A_272 = arith.constant 0 : i32
      %add3A_273 = arith.addi %mul3A_217, %add3A_272 : i32
      %swap3A = arith.constant 0 : i32
      %swap3A_274 = arith.index_cast %swap3A : i32 to index
      %swap3A_275 = arith.index_cast %add3A_273 : i32 to index
      %swap3A_276 = tpu.vector_load %arg8[%swap3A_274, %swap3A_275] {strides = array<i32>} : memref<1x4096xf32, #tpu.memory_space<vmem>>, vector<16xf32>,
      tpu.vector_store %arg8[%swap3A_274, %swap3A_275], %gather3A {strides = array<i32>} : memref<1x4096xf32, #tpu.memory_space<vmem>>, vector<16xf32>,
      %add3A_277 = arith.constant 16 : i32
      %add3A_278 = arith.addi %mul3A_217, %add3A_277 : i32
      %swap3A_279 = arith.constant 0 : i32
      %swap3A_280 = arith.index_cast %swap3A_279 : i32 to index
      %swap3A_281 = arith.index_cast %add3A_278 : i32 to index
      %swap3A_282 = tpu.vector_load %arg8[%swap3A_280, %swap3A_281] {strides = array<i32>} : memref<1x4096xf32, #tpu.memory_space<vmem>>, vector<16xf32>,
      tpu.vector_store %arg8[%swap3A_280, %swap3A_281], %gather3A_265 {strides = array<i32>} : memref<1x4096xf32, #tpu.memory_space<vmem>>, vector<16xf32>,
      %add3A_283 = arith.constant 32 : i32
      %add3A_284 = arith.addi %mul3A_217, %add3A_283 : i32
      %swap3A_285 = arith.constant 0 : i32
      %swap3A_286 = arith.index_cast %swap3A_285 : i32 to index
      %swap3A_287 = arith.index_cast %add3A_284 : i32 to index
      %swap3A_288 = tpu.vector_load %arg8[%swap3A_286, %swap3A_287] {strides = array<i32>} : memref<1x4096xf32, #tpu.memory_space<vmem>>, vector<16xf32>,
      tpu.vector_store %arg8[%swap3A_286, %swap3A_287], %gather3A_266 {strides = array<i32>} : memref<1x4096xf32, #tpu.memory_space<vmem>>, vector<16xf32>,
      %add3A_289 = arith.constant 48 : i32
      %add3A_290 = arith.addi %mul3A_217, %add3A_289 : i32
      %swap3A_291 = arith.constant 0 : i32
      %swap3A_292 = arith.index_cast %swap3A_291 : i32 to index
      %swap3A_293 = arith.index_cast %add3A_290 : i32 to index
      %swap3A_294 = tpu.vector_load %arg8[%swap3A_292, %swap3A_293] {strides = array<i32>} : memref<1x4096xf32, #tpu.memory_space<vmem>>, vector<16xf32>,
      tpu.vector_store %arg8[%swap3A_292, %swap3A_293], %gather3A_267 {strides = array<i32>} : memref<1x4096xf32, #tpu.memory_space<vmem>>, vector<16xf32>,
      %add3A_295 = arith.constant 64 : i32
      %add3A_296 = arith.addi %mul3A_217, %add3A_295 : i32
      %swap3A_297 = arith.constant 0 : i32
      %swap3A_298 = arith.index_cast %swap3A_297 : i32 to index
      %swap3A_299 = arith.index_cast %add3A_296 : i32 to index
      %swap3A_300 = tpu.vector_load %arg8[%swap3A_298, %swap3A_299] {strides = array<i32>} : memref<1x4096xf32, #tpu.memory_space<vmem>>, vector<16xf32>,
      tpu.vector_store %arg8[%swap3A_298, %swap3A_299], %gather3A_268 {strides = array<i32>} : memref<1x4096xf32, #tpu.memory_space<vmem>>, vector<16xf32>,
      %add3A_301 = arith.constant 80 : i32
      %add3A_302 = arith.addi %mul3A_217, %add3A_301 : i32
      %swap3A_303 = arith.constant 0 : i32
      %swap3A_304 = arith.index_cast %swap3A_303 : i32 to index
      %swap3A_305 = arith.index_cast %add3A_302 : i32 to index
      %swap3A_306 = tpu.vector_load %arg8[%swap3A_304, %swap3A_305] {strides = array<i32>} : memref<1x4096xf32, #tpu.memory_space<vmem>>, vector<16xf32>,
      tpu.vector_store %arg8[%swap3A_304, %swap3A_305], %gather3A_269 {strides = array<i32>} : memref<1x4096xf32, #tpu.memory_space<vmem>>, vector<16xf32>,
      %add3A_307 = arith.constant 96 : i32
      %add3A_308 = arith.addi %mul3A_217, %add3A_307 : i32
      %swap3A_309 = arith.constant 0 : i32
      %swap3A_310 = arith.index_cast %swap3A_309 : i32 to index
      %swap3A_311 = arith.index_cast %add3A_308 : i32 to index
      %swap3A_312 = tpu.vector_load %arg8[%swap3A_310, %swap3A_311] {strides = array<i32>} : memref<1x4096xf32, #tpu.memory_space<vmem>>, vector<16xf32>,
      tpu.vector_store %arg8[%swap3A_310, %swap3A_311], %gather3A_270 {strides = array<i32>} : memref<1x4096xf32, #tpu.memory_space<vmem>>, vector<16xf32>,
      %add3A_313 = arith.constant 112 : i32
      %add3A_314 = arith.addi %mul3A_217, %add3A_313 : i32
      %swap3A_315 = arith.constant 0 : i32
      %swap3A_316 = arith.index_cast %swap3A_315 : i32 to index
      %swap3A_317 = arith.index_cast %add3A_314 : i32 to index
      %swap3A_318 = tpu.vector_load %arg8[%swap3A_316, %swap3A_317] {strides = array<i32>} : memref<1x4096xf32, #tpu.memory_space<vmem>>, vector<16xf32>,
      tpu.vector_store %arg8[%swap3A_316, %swap3A_317], %gather3A_271 {strides = array<i32>} : memref<1x4096xf32, #tpu.memory_space<vmem>>, vector<16xf32>,
    }
    %scan3A_88 = arith.constant 32 : i32
    %dma_start3A_89 = arith.constant 8192 : i32
    %dma_start3A_90 = tpu.memref_slice %arg4[%add3A_39, %dma_start3A_89] : memref<64x16384xf32, #tpu.memory_space<hbm>> -> memref<1x4096xf32, #tpu.memory_space<hbm>>
    %dma_start3A_91 = arith.constant 8192 : i32
    %dma_start3A_92 = tpu.memref_slice %arg4[%add3A_39, %dma_start3A_91] : memref<64x16384xf32, #tpu.memory_space<hbm>> -> memref<1x4096xf32, #tpu.memory_space<hbm>>
    tpu.enqueue_dma source(%arg8 : memref<1x4096xf32, #tpu.memory_space<vmem>>) target(%dma_start3A_92 : memref<1x4096xf32, #tpu.memory_space<hbm>>) target_semaphore(%arg13 : memref<!tpu.dma_semaphore, #tpu.memory_space<semaphore_mem>>)
    %dma_wait3A_93 = arith.constant 4096 : i32
    %dma_wait3A_94 = tpu.memref_slice %arg4[%add3A_39, %dma_wait3A_93] : memref<64x16384xf32, #tpu.memory_space<hbm>> -> memref<1x4096xf32, #tpu.memory_space<hbm>>
    %dma_wait3A_95 = arith.constant 4096 : i32
    %dma_wait3A_96 = tpu.memref_slice %arg4[%add3A_39, %dma_wait3A_95] : memref<64x16384xf32, #tpu.memory_space<hbm>> -> memref<1x4096xf32, #tpu.memory_space<hbm>>
    tpu.wait_dma2 semaphore(%arg13 : memref<!tpu.dma_semaphore, #tpu.memory_space<semaphore_mem>>) src(%arg9 : memref<1x4096xf32, #tpu.memory_space<vmem>>) dst(%dma_wait3A_96 : memref<1x4096xf32, #tpu.memory_space<hbm>>)
    %scan3A_97 = arith.constant 0 : i32
    %scan3A_98 = arith.constant 0 : i32
    %scan3A_99 = arith.constant 32 : i32
    %scan3A_100 = arith.addi %scan3A_98, %scan3A_99 : i32
    %scan3A_101 = arith.constant 1 : i32
    scf.for %scan3A_215 = %scan3A_98 to %scan3A_100 step %scan3A_101  : i32 {
      %mul3A_216 = arith.constant 128 : i32
      %mul3A_217 = arith.muli %scan3A_215, %mul3A_216 : i32
      %add3A_218 = arith.constant 4096 : i32
      %add3A_219 = arith.addi %add3A_218, %mul3A_217 : i32
      %add3A_220 = arith.constant 0 : i32
      %add3A_221 = arith.addi %add3A_219, %add3A_220 : i32
      %get3A = arith.index_cast %add3A_221 : i32 to index
      %get3A_222 = tpu.vector_load %arg7[%get3A] {strides = array<i32>} : memref<8192xi32, #tpu.memory_space<vmem>>, vector<16xi32>,
      %add3A_223 = arith.constant 4096 : i32
      %add3A_224 = arith.addi %add3A_223, %mul3A_217 : i32
      %add3A_225 = arith.constant 16 : i32
      %add3A_226 = arith.addi %add3A_224, %add3A_225 : i32
      %get3A_227 = arith.index_cast %add3A_226 : i32 to index
      %get3A_228 = tpu.vector_load %arg7[%get3A_227] {strides = array<i32>} : memref<8192xi32, #tpu.memory_space<vmem>>, vector<16xi32>,
      %add3A_229 = arith.constant 4096 : i32
      %add3A_230 = arith.addi %add3A_229, %mul3A_217 : i32
      %add3A_231 = arith.constant 32 : i32
      %add3A_232 = arith.addi %add3A_230, %add3A_231 : i32
      %get3A_233 = arith.index_cast %add3A_232 : i32 to index
      %get3A_234 = tpu.vector_load %arg7[%get3A_233] {strides = array<i32>} : memref<8192xi32, #tpu.memory_space<vmem>>, vector<16xi32>,
      %add3A_235 = arith.constant 4096 : i32
      %add3A_236 = arith.addi %add3A_235, %mul3A_217 : i32
      %add3A_237 = arith.constant 48 : i32
      %add3A_238 = arith.addi %add3A_236, %add3A_237 : i32
      %get3A_239 = arith.index_cast %add3A_238 : i32 to index
      %get3A_240 = tpu.vector_load %arg7[%get3A_239] {strides = array<i32>} : memref<8192xi32, #tpu.memory_space<vmem>>, vector<16xi32>,
      %add3A_241 = arith.constant 4096 : i32
      %add3A_242 = arith.addi %add3A_241, %mul3A_217 : i32
      %add3A_243 = arith.constant 64 : i32
      %add3A_244 = arith.addi %add3A_242, %add3A_243 : i32
      %get3A_245 = arith.index_cast %add3A_244 : i32 to index
      %get3A_246 = tpu.vector_load %arg7[%get3A_245] {strides = array<i32>} : memref<8192xi32, #tpu.memory_space<vmem>>, vector<16xi32>,
      %add3A_247 = arith.constant 4096 : i32
      %add3A_248 = arith.addi %add3A_247, %mul3A_217 : i32
      %add3A_249 = arith.constant 80 : i32
      %add3A_250 = arith.addi %add3A_248, %add3A_249 : i32
      %get3A_251 = arith.index_cast %add3A_250 : i32 to index
      %get3A_252 = tpu.vector_load %arg7[%get3A_251] {strides = array<i32>} : memref<8192xi32, #tpu.memory_space<vmem>>, vector<16xi32>,
      %add3A_253 = arith.constant 4096 : i32
      %add3A_254 = arith.addi %add3A_253, %mul3A_217 : i32
      %add3A_255 = arith.constant 96 : i32
      %add3A_256 = arith.addi %add3A_254, %add3A_255 : i32
      %get3A_257 = arith.index_cast %add3A_256 : i32 to index
      %get3A_258 = tpu.vector_load %arg7[%get3A_257] {strides = array<i32>} : memref<8192xi32, #tpu.memory_space<vmem>>, vector<16xi32>,
      %add3A_259 = arith.constant 4096 : i32
      %add3A_260 = arith.addi %add3A_259, %mul3A_217 : i32
      %add3A_261 = arith.constant 112 : i32
      %add3A_262 = arith.addi %add3A_260, %add3A_261 : i32
      %get3A_263 = arith.index_cast %add3A_262 : i32 to index
      %get3A_264 = tpu.vector_load %arg7[%get3A_263] {strides = array<i32>} : memref<8192xi32, #tpu.memory_space<vmem>>, vector<16xi32>,
      %gather3A = tpu.vector_load_idx %arg5[%broadcast_in_dim3A_3, %get3A_222] : memref<1x100000xf32, #tpu.memory_space<vmem>>[vector<16xi32>, vector<16xi32>], vector<16xf32>,
      %gather3A_265 = tpu.vector_load_idx %arg5[%broadcast_in_dim3A_3, %get3A_228] : memref<1x100000xf32, #tpu.memory_space<vmem>>[vector<16xi32>, vector<16xi32>], vector<16xf32>,
      %gather3A_266 = tpu.vector_load_idx %arg5[%broadcast_in_dim3A_3, %get3A_234] : memref<1x100000xf32, #tpu.memory_space<vmem>>[vector<16xi32>, vector<16xi32>], vector<16xf32>,
      %gather3A_267 = tpu.vector_load_idx %arg5[%broadcast_in_dim3A_3, %get3A_240] : memref<1x100000xf32, #tpu.memory_space<vmem>>[vector<16xi32>, vector<16xi32>], vector<16xf32>,
      %gather3A_268 = tpu.vector_load_idx %arg5[%broadcast_in_dim3A_3, %get3A_246] : memref<1x100000xf32, #tpu.memory_space<vmem>>[vector<16xi32>, vector<16xi32>], vector<16xf32>,
      %gather3A_269 = tpu.vector_load_idx %arg5[%broadcast_in_dim3A_3, %get3A_252] : memref<1x100000xf32, #tpu.memory_space<vmem>>[vector<16xi32>, vector<16xi32>], vector<16xf32>,
      %gather3A_270 = tpu.vector_load_idx %arg5[%broadcast_in_dim3A_3, %get3A_258] : memref<1x100000xf32, #tpu.memory_space<vmem>>[vector<16xi32>, vector<16xi32>], vector<16xf32>,
      %gather3A_271 = tpu.vector_load_idx %arg5[%broadcast_in_dim3A_3, %get3A_264] : memref<1x100000xf32, #tpu.memory_space<vmem>>[vector<16xi32>, vector<16xi32>], vector<16xf32>,
      %add3A_272 = arith.constant 0 : i32
      %add3A_273 = arith.addi %mul3A_217, %add3A_272 : i32
      %swap3A = arith.constant 0 : i32
      %swap3A_274 = arith.index_cast %swap3A : i32 to index
      %swap3A_275 = arith.index_cast %add3A_273 : i32 to index
      %swap3A_276 = tpu.vector_load %arg9[%swap3A_274, %swap3A_275] {strides = array<i32>} : memref<1x4096xf32, #tpu.memory_space<vmem>>, vector<16xf32>,
      tpu.vector_store %arg9[%swap3A_274, %swap3A_275], %gather3A {strides = array<i32>} : memref<1x4096xf32, #tpu.memory_space<vmem>>, vector<16xf32>,
      %add3A_277 = arith.constant 16 : i32
      %add3A_278 = arith.addi %mul3A_217, %add3A_277 : i32
      %swap3A_279 = arith.constant 0 : i32
      %swap3A_280 = arith.index_cast %swap3A_279 : i32 to index
      %swap3A_281 = arith.index_cast %add3A_278 : i32 to index
      %swap3A_282 = tpu.vector_load %arg9[%swap3A_280, %swap3A_281] {strides = array<i32>} : memref<1x4096xf32, #tpu.memory_space<vmem>>, vector<16xf32>,
      tpu.vector_store %arg9[%swap3A_280, %swap3A_281], %gather3A_265 {strides = array<i32>} : memref<1x4096xf32, #tpu.memory_space<vmem>>, vector<16xf32>,
      %add3A_283 = arith.constant 32 : i32
      %add3A_284 = arith.addi %mul3A_217, %add3A_283 : i32
      %swap3A_285 = arith.constant 0 : i32
      %swap3A_286 = arith.index_cast %swap3A_285 : i32 to index
      %swap3A_287 = arith.index_cast %add3A_284 : i32 to index
      %swap3A_288 = tpu.vector_load %arg9[%swap3A_286, %swap3A_287] {strides = array<i32>} : memref<1x4096xf32, #tpu.memory_space<vmem>>, vector<16xf32>,
      tpu.vector_store %arg9[%swap3A_286, %swap3A_287], %gather3A_266 {strides = array<i32>} : memref<1x4096xf32, #tpu.memory_space<vmem>>, vector<16xf32>,
      %add3A_289 = arith.constant 48 : i32
      %add3A_290 = arith.addi %mul3A_217, %add3A_289 : i32
      %swap3A_291 = arith.constant 0 : i32
      %swap3A_292 = arith.index_cast %swap3A_291 : i32 to index
      %swap3A_293 = arith.index_cast %add3A_290 : i32 to index
      %swap3A_294 = tpu.vector_load %arg9[%swap3A_292, %swap3A_293] {strides = array<i32>} : memref<1x4096xf32, #tpu.memory_space<vmem>>, vector<16xf32>,
      tpu.vector_store %arg9[%swap3A_292, %swap3A_293], %gather3A_267 {strides = array<i32>} : memref<1x4096xf32, #tpu.memory_space<vmem>>, vector<16xf32>,
      %add3A_295 = arith.constant 64 : i32
      %add3A_296 = arith.addi %mul3A_217, %add3A_295 : i32
      %swap3A_297 = arith.constant 0 : i32
      %swap3A_298 = arith.index_cast %swap3A_297 : i32 to index
      %swap3A_299 = arith.index_cast %add3A_296 : i32 to index
      %swap3A_300 = tpu.vector_load %arg9[%swap3A_298, %swap3A_299] {strides = array<i32>} : memref<1x4096xf32, #tpu.memory_space<vmem>>, vector<16xf32>,
      tpu.vector_store %arg9[%swap3A_298, %swap3A_299], %gather3A_268 {strides = array<i32>} : memref<1x4096xf32, #tpu.memory_space<vmem>>, vector<16xf32>,
      %add3A_301 = arith.constant 80 : i32
      %add3A_302 = arith.addi %mul3A_217, %add3A_301 : i32
      %swap3A_303 = arith.constant 0 : i32
      %swap3A_304 = arith.index_cast %swap3A_303 : i32 to index
      %swap3A_305 = arith.index_cast %add3A_302 : i32 to index
      %swap3A_306 = tpu.vector_load %arg9[%swap3A_304, %swap3A_305] {strides = array<i32>} : memref<1x4096xf32, #tpu.memory_space<vmem>>, vector<16xf32>,
      tpu.vector_store %arg9[%swap3A_304, %swap3A_305], %gather3A_269 {strides = array<i32>} : memref<1x4096xf32, #tpu.memory_space<vmem>>, vector<16xf32>,
      %add3A_307 = arith.constant 96 : i32
      %add3A_308 = arith.addi %mul3A_217, %add3A_307 : i32
      %swap3A_309 = arith.constant 0 : i32
      %swap3A_310 = arith.index_cast %swap3A_309 : i32 to index
      %swap3A_311 = arith.index_cast %add3A_308 : i32 to index
      %swap3A_312 = tpu.vector_load %arg9[%swap3A_310, %swap3A_311] {strides = array<i32>} : memref<1x4096xf32, #tpu.memory_space<vmem>>, vector<16xf32>,
      tpu.vector_store %arg9[%swap3A_310, %swap3A_311], %gather3A_270 {strides = array<i32>} : memref<1x4096xf32, #tpu.memory_space<vmem>>, vector<16xf32>,
      %add3A_313 = arith.constant 112 : i32
      %add3A_314 = arith.addi %mul3A_217, %add3A_313 : i32
      %swap3A_315 = arith.constant 0 : i32
      %swap3A_316 = arith.index_cast %swap3A_315 : i32 to index
      %swap3A_317 = arith.index_cast %add3A_314 : i32 to index
      %swap3A_318 = tpu.vector_load %arg9[%swap3A_316, %swap3A_317] {strides = array<i32>} : memref<1x4096xf32, #tpu.memory_space<vmem>>, vector<16xf32>,
      tpu.vector_store %arg9[%swap3A_316, %swap3A_317], %gather3A_271 {strides = array<i32>} : memref<1x4096xf32, #tpu.memory_space<vmem>>, vector<16xf32>,
    }
    %scan3A_102 = arith.constant 32 : i32
    %add3A_103 = arith.constant 1 : i32
    %add3A_104 = arith.addi %add3A_39, %add3A_103 : i32
    %dma_start3A_105 = arith.constant 0 : i32
    %dma_start3A_106 = arith.constant 0 : i32
    %dma_start3A_107 = tpu.memref_slice %arg5[%dma_start3A_105, %dma_start3A_106] : memref<1x100000xf32, #tpu.memory_space<vmem>> -> memref<1x50048xf32, #tpu.memory_space<vmem>>
    %dma_start3A_108 = arith.constant 0 : i32
    %dma_start3A_109 = tpu.memref_slice %arg3[%add3A_104, %dma_start3A_108] : memref<64x100000xf32, #tpu.memory_space<hbm>> -> memref<1x50048xf32, #tpu.memory_space<hbm>>
    %dma_start3A_110 = arith.constant 0 : i32
    %dma_start3A_111 = arith.constant 0 : i32
    %dma_start3A_112 = tpu.memref_slice %arg5[%dma_start3A_110, %dma_start3A_111] : memref<1x100000xf32, #tpu.memory_space<vmem>> -> memref<1x50048xf32, #tpu.memory_space<vmem>>
    %dma_start3A_113 = arith.constant 0 : i32
    %dma_start3A_114 = tpu.memref_slice %arg3[%add3A_104, %dma_start3A_113] : memref<64x100000xf32, #tpu.memory_space<hbm>> -> memref<1x50048xf32, #tpu.memory_space<hbm>>
    tpu.enqueue_dma source(%dma_start3A_114 : memref<1x50048xf32, #tpu.memory_space<hbm>>) target(%dma_start3A_112 : memref<1x50048xf32, #tpu.memory_space<vmem>>) target_semaphore(%arg10 : memref<!tpu.dma_semaphore, #tpu.memory_space<semaphore_mem>>)
    %dma_start3A_115 = arith.constant 0 : i32
    %dma_start3A_116 = arith.constant 50048 : i32
    %dma_start3A_117 = tpu.memref_slice %arg5[%dma_start3A_115, %dma_start3A_116] : memref<1x100000xf32, #tpu.memory_space<vmem>> -> memref<1x49952xf32, #tpu.memory_space<vmem>>
    %dma_start3A_118 = arith.constant 50048 : i32
    %dma_start3A_119 = tpu.memref_slice %arg3[%add3A_104, %dma_start3A_118] : memref<64x100000xf32, #tpu.memory_space<hbm>> -> memref<1x49952xf32, #tpu.memory_space<hbm>>
    %dma_start3A_120 = arith.constant 0 : i32
    %dma_start3A_121 = arith.constant 50048 : i32
    %dma_start3A_122 = tpu.memref_slice %arg5[%dma_start3A_120, %dma_start3A_121] : memref<1x100000xf32, #tpu.memory_space<vmem>> -> memref<1x49952xf32, #tpu.memory_space<vmem>>
    %dma_start3A_123 = arith.constant 50048 : i32
    %dma_start3A_124 = tpu.memref_slice %arg3[%add3A_104, %dma_start3A_123] : memref<64x100000xf32, #tpu.memory_space<hbm>> -> memref<1x49952xf32, #tpu.memory_space<hbm>>
    tpu.enqueue_dma source(%dma_start3A_124 : memref<1x49952xf32, #tpu.memory_space<hbm>>) target(%dma_start3A_122 : memref<1x49952xf32, #tpu.memory_space<vmem>>) target_semaphore(%arg11 : memref<!tpu.dma_semaphore, #tpu.memory_space<semaphore_mem>>)
    %dma_start3A_125 = arith.constant 12288 : i32
    %dma_start3A_126 = tpu.memref_slice %arg4[%add3A_39, %dma_start3A_125] : memref<64x16384xf32, #tpu.memory_space<hbm>> -> memref<1x4096xf32, #tpu.memory_space<hbm>>
    %dma_start3A_127 = arith.constant 12288 : i32
    %dma_start3A_128 = tpu.memref_slice %arg4[%add3A_39, %dma_start3A_127] : memref<64x16384xf32, #tpu.memory_space<hbm>> -> memref<1x4096xf32, #tpu.memory_space<hbm>>
    tpu.enqueue_dma source(%arg9 : memref<1x4096xf32, #tpu.memory_space<vmem>>) target(%dma_start3A_128 : memref<1x4096xf32, #tpu.memory_space<hbm>>) target_semaphore(%arg13 : memref<!tpu.dma_semaphore, #tpu.memory_space<semaphore_mem>>)
    %add3A_129 = arith.constant 1 : i32
    %add3A_130 = arith.addi %mul3A_2, %add3A_129 : i32
    %dma_wait3A_131 = arith.constant 0 : i32
    %dma_wait3A_132 = arith.constant 0 : i32
    %dma_wait3A_133 = tpu.memref_slice %arg5[%dma_wait3A_131, %dma_wait3A_132] : memref<1x100000xf32, #tpu.memory_space<vmem>> -> memref<1x50048xf32, #tpu.memory_space<vmem>>
    %dma_wait3A_134 = arith.constant 0 : i32
    %dma_wait3A_135 = tpu.memref_slice %arg3[%add3A_130, %dma_wait3A_134] : memref<64x100000xf32, #tpu.memory_space<hbm>> -> memref<1x50048xf32, #tpu.memory_space<hbm>>
    %dma_wait3A_136 = arith.constant 0 : i32
    %dma_wait3A_137 = arith.constant 0 : i32
    %dma_wait3A_138 = tpu.memref_slice %arg5[%dma_wait3A_136, %dma_wait3A_137] : memref<1x100000xf32, #tpu.memory_space<vmem>> -> memref<1x50048xf32, #tpu.memory_space<vmem>>
    %dma_wait3A_139 = arith.constant 0 : i32
    %dma_wait3A_140 = tpu.memref_slice %arg3[%add3A_130, %dma_wait3A_139] : memref<64x100000xf32, #tpu.memory_space<hbm>> -> memref<1x50048xf32, #tpu.memory_space<hbm>>
    tpu.wait_dma2 semaphore(%arg10 : memref<!tpu.dma_semaphore, #tpu.memory_space<semaphore_mem>>) src(%dma_wait3A_140 : memref<1x50048xf32, #tpu.memory_space<hbm>>) dst(%dma_wait3A_138 : memref<1x50048xf32, #tpu.memory_space<vmem>>)
    %dma_wait3A_141 = arith.constant 0 : i32
    %dma_wait3A_142 = arith.constant 50048 : i32
    %dma_wait3A_143 = tpu.memref_slice %arg5[%dma_wait3A_141, %dma_wait3A_142] : memref<1x100000xf32, #tpu.memory_space<vmem>> -> memref<1x49952xf32, #tpu.memory_space<vmem>>
    %dma_wait3A_144 = arith.constant 50048 : i32
    %dma_wait3A_145 = tpu.memref_slice %arg3[%add3A_130, %dma_wait3A_144] : memref<64x100000xf32, #tpu.memory_space<hbm>> -> memref<1x49952xf32, #tpu.memory_space<hbm>>
    %dma_wait3A_146 = arith.constant 0 : i32
    %dma_wait3A_147 = arith.constant 50048 : i32
    %dma_wait3A_148 = tpu.memref_slice %arg5[%dma_wait3A_146, %dma_wait3A_147] : memref<1x100000xf32, #tpu.memory_space<vmem>> -> memref<1x49952xf32, #tpu.memory_space<vmem>>
    %dma_wait3A_149 = arith.constant 50048 : i32
    %dma_wait3A_150 = tpu.memref_slice %arg3[%add3A_130, %dma_wait3A_149] : memref<64x100000xf32, #tpu.memory_space<hbm>> -> memref<1x49952xf32, #tpu.memory_space<hbm>>
    tpu.wait_dma2 semaphore(%arg11 : memref<!tpu.dma_semaphore, #tpu.memory_space<semaphore_mem>>) src(%dma_wait3A_150 : memref<1x49952xf32, #tpu.memory_space<hbm>>) dst(%dma_wait3A_148 : memref<1x49952xf32, #tpu.memory_space<vmem>>)
    %dma_wait3A_151 = arith.constant 8192 : i32
    %dma_wait3A_152 = tpu.memref_slice %arg4[%add3A_39, %dma_wait3A_151] : memref<64x16384xf32, #tpu.memory_space<hbm>> -> memref<1x4096xf32, #tpu.memory_space<hbm>>
    %dma_wait3A_153 = arith.constant 8192 : i32
    %dma_wait3A_154 = tpu.memref_slice %arg4[%add3A_39, %dma_wait3A_153] : memref<64x16384xf32, #tpu.memory_space<hbm>> -> memref<1x4096xf32, #tpu.memory_space<hbm>>
    tpu.wait_dma2 semaphore(%arg13 : memref<!tpu.dma_semaphore, #tpu.memory_space<semaphore_mem>>) src(%arg8 : memref<1x4096xf32, #tpu.memory_space<vmem>>) dst(%dma_wait3A_154 : memref<1x4096xf32, #tpu.memory_space<hbm>>)
    %scan3A_155 = arith.constant 0 : i32
    %scan3A_156 = arith.constant 0 : i32
    %scan3A_157 = arith.constant 32 : i32
    %scan3A_158 = arith.addi %scan3A_156, %scan3A_157 : i32
    %scan3A_159 = arith.constant 1 : i32
    scf.for %scan3A_215 = %scan3A_156 to %scan3A_158 step %scan3A_159  : i32 {
      %mul3A_216 = arith.constant 128 : i32
      %mul3A_217 = arith.muli %scan3A_215, %mul3A_216 : i32
      %add3A_218 = arith.constant 0 : i32
      %add3A_219 = arith.addi %add3A_218, %mul3A_217 : i32
      %add3A_220 = arith.constant 0 : i32
      %add3A_221 = arith.addi %add3A_219, %add3A_220 : i32
      %get3A = arith.index_cast %add3A_221 : i32 to index
      %get3A_222 = tpu.vector_load %arg6[%get3A] {strides = array<i32>} : memref<8192xi32, #tpu.memory_space<vmem>>, vector<16xi32>,
      %add3A_223 = arith.constant 0 : i32
      %add3A_224 = arith.addi %add3A_223, %mul3A_217 : i32
      %add3A_225 = arith.constant 16 : i32
      %add3A_226 = arith.addi %add3A_224, %add3A_225 : i32
      %get3A_227 = arith.index_cast %add3A_226 : i32 to index
      %get3A_228 = tpu.vector_load %arg6[%get3A_227] {strides = array<i32>} : memref<8192xi32, #tpu.memory_space<vmem>>, vector<16xi32>,
      %add3A_229 = arith.constant 0 : i32
      %add3A_230 = arith.addi %add3A_229, %mul3A_217 : i32
      %add3A_231 = arith.constant 32 : i32
      %add3A_232 = arith.addi %add3A_230, %add3A_231 : i32
      %get3A_233 = arith.index_cast %add3A_232 : i32 to index
      %get3A_234 = tpu.vector_load %arg6[%get3A_233] {strides = array<i32>} : memref<8192xi32, #tpu.memory_space<vmem>>, vector<16xi32>,
      %add3A_235 = arith.constant 0 : i32
      %add3A_236 = arith.addi %add3A_235, %mul3A_217 : i32
      %add3A_237 = arith.constant 48 : i32
      %add3A_238 = arith.addi %add3A_236, %add3A_237 : i32
      %get3A_239 = arith.index_cast %add3A_238 : i32 to index
      %get3A_240 = tpu.vector_load %arg6[%get3A_239] {strides = array<i32>} : memref<8192xi32, #tpu.memory_space<vmem>>, vector<16xi32>,
      %add3A_241 = arith.constant 0 : i32
      %add3A_242 = arith.addi %add3A_241, %mul3A_217 : i32
      %add3A_243 = arith.constant 64 : i32
      %add3A_244 = arith.addi %add3A_242, %add3A_243 : i32
      %get3A_245 = arith.index_cast %add3A_244 : i32 to index
      %get3A_246 = tpu.vector_load %arg6[%get3A_245] {strides = array<i32>} : memref<8192xi32, #tpu.memory_space<vmem>>, vector<16xi32>,
      %add3A_247 = arith.constant 0 : i32
      %add3A_248 = arith.addi %add3A_247, %mul3A_217 : i32
      %add3A_249 = arith.constant 80 : i32
      %add3A_250 = arith.addi %add3A_248, %add3A_249 : i32
      %get3A_251 = arith.index_cast %add3A_250 : i32 to index
      %get3A_252 = tpu.vector_load %arg6[%get3A_251] {strides = array<i32>} : memref<8192xi32, #tpu.memory_space<vmem>>, vector<16xi32>,
      %add3A_253 = arith.constant 0 : i32
      %add3A_254 = arith.addi %add3A_253, %mul3A_217 : i32
      %add3A_255 = arith.constant 96 : i32
      %add3A_256 = arith.addi %add3A_254, %add3A_255 : i32
      %get3A_257 = arith.index_cast %add3A_256 : i32 to index
      %get3A_258 = tpu.vector_load %arg6[%get3A_257] {strides = array<i32>} : memref<8192xi32, #tpu.memory_space<vmem>>, vector<16xi32>,
      %add3A_259 = arith.constant 0 : i32
      %add3A_260 = arith.addi %add3A_259, %mul3A_217 : i32
      %add3A_261 = arith.constant 112 : i32
      %add3A_262 = arith.addi %add3A_260, %add3A_261 : i32
      %get3A_263 = arith.index_cast %add3A_262 : i32 to index
      %get3A_264 = tpu.vector_load %arg6[%get3A_263] {strides = array<i32>} : memref<8192xi32, #tpu.memory_space<vmem>>, vector<16xi32>,
      %gather3A = tpu.vector_load_idx %arg5[%broadcast_in_dim3A_3, %get3A_222] : memref<1x100000xf32, #tpu.memory_space<vmem>>[vector<16xi32>, vector<16xi32>], vector<16xf32>,
      %gather3A_265 = tpu.vector_load_idx %arg5[%broadcast_in_dim3A_3, %get3A_228] : memref<1x100000xf32, #tpu.memory_space<vmem>>[vector<16xi32>, vector<16xi32>], vector<16xf32>,
      %gather3A_266 = tpu.vector_load_idx %arg5[%broadcast_in_dim3A_3, %get3A_234] : memref<1x100000xf32, #tpu.memory_space<vmem>>[vector<16xi32>, vector<16xi32>], vector<16xf32>,
      %gather3A_267 = tpu.vector_load_idx %arg5[%broadcast_in_dim3A_3, %get3A_240] : memref<1x100000xf32, #tpu.memory_space<vmem>>[vector<16xi32>, vector<16xi32>], vector<16xf32>,
      %gather3A_268 = tpu.vector_load_idx %arg5[%broadcast_in_dim3A_3, %get3A_246] : memref<1x100000xf32, #tpu.memory_space<vmem>>[vector<16xi32>, vector<16xi32>], vector<16xf32>,
      %gather3A_269 = tpu.vector_load_idx %arg5[%broadcast_in_dim3A_3, %get3A_252] : memref<1x100000xf32, #tpu.memory_space<vmem>>[vector<16xi32>, vector<16xi32>], vector<16xf32>,
      %gather3A_270 = tpu.vector_load_idx %arg5[%broadcast_in_dim3A_3, %get3A_258] : memref<1x100000xf32, #tpu.memory_space<vmem>>[vector<16xi32>, vector<16xi32>], vector<16xf32>,
      %gather3A_271 = tpu.vector_load_idx %arg5[%broadcast_in_dim3A_3, %get3A_264] : memref<1x100000xf32, #tpu.memory_space<vmem>>[vector<16xi32>, vector<16xi32>], vector<16xf32>,
      %add3A_272 = arith.constant 0 : i32
      %add3A_273 = arith.addi %mul3A_217, %add3A_272 : i32
      %swap3A = arith.constant 0 : i32
      %swap3A_274 = arith.index_cast %swap3A : i32 to index
      %swap3A_275 = arith.index_cast %add3A_273 : i32 to index
      %swap3A_276 = tpu.vector_load %arg8[%swap3A_274, %swap3A_275] {strides = array<i32>} : memref<1x4096xf32, #tpu.memory_space<vmem>>, vector<16xf32>,
      tpu.vector_store %arg8[%swap3A_274, %swap3A_275], %gather3A {strides = array<i32>} : memref<1x4096xf32, #tpu.memory_space<vmem>>, vector<16xf32>,
      %add3A_277 = arith.constant 16 : i32
      %add3A_278 = arith.addi %mul3A_217, %add3A_277 : i32
      %swap3A_279 = arith.constant 0 : i32
      %swap3A_280 = arith.index_cast %swap3A_279 : i32 to index
      %swap3A_281 = arith.index_cast %add3A_278 : i32 to index
      %swap3A_282 = tpu.vector_load %arg8[%swap3A_280, %swap3A_281] {strides = array<i32>} : memref<1x4096xf32, #tpu.memory_space<vmem>>, vector<16xf32>,
      tpu.vector_store %arg8[%swap3A_280, %swap3A_281], %gather3A_265 {strides = array<i32>} : memref<1x4096xf32, #tpu.memory_space<vmem>>, vector<16xf32>,
      %add3A_283 = arith.constant 32 : i32
      %add3A_284 = arith.addi %mul3A_217, %add3A_283 : i32
      %swap3A_285 = arith.constant 0 : i32
      %swap3A_286 = arith.index_cast %swap3A_285 : i32 to index
      %swap3A_287 = arith.index_cast %add3A_284 : i32 to index
      %swap3A_288 = tpu.vector_load %arg8[%swap3A_286, %swap3A_287] {strides = array<i32>} : memref<1x4096xf32, #tpu.memory_space<vmem>>, vector<16xf32>,
      tpu.vector_store %arg8[%swap3A_286, %swap3A_287], %gather3A_266 {strides = array<i32>} : memref<1x4096xf32, #tpu.memory_space<vmem>>, vector<16xf32>,
      %add3A_289 = arith.constant 48 : i32
      %add3A_290 = arith.addi %mul3A_217, %add3A_289 : i32
      %swap3A_291 = arith.constant 0 : i32
      %swap3A_292 = arith.index_cast %swap3A_291 : i32 to index
      %swap3A_293 = arith.index_cast %add3A_290 : i32 to index
      %swap3A_294 = tpu.vector_load %arg8[%swap3A_292, %swap3A_293] {strides = array<i32>} : memref<1x4096xf32, #tpu.memory_space<vmem>>, vector<16xf32>,
      tpu.vector_store %arg8[%swap3A_292, %swap3A_293], %gather3A_267 {strides = array<i32>} : memref<1x4096xf32, #tpu.memory_space<vmem>>, vector<16xf32>,
      %add3A_295 = arith.constant 64 : i32
      %add3A_296 = arith.addi %mul3A_217, %add3A_295 : i32
      %swap3A_297 = arith.constant 0 : i32
      %swap3A_298 = arith.index_cast %swap3A_297 : i32 to index
      %swap3A_299 = arith.index_cast %add3A_296 : i32 to index
      %swap3A_300 = tpu.vector_load %arg8[%swap3A_298, %swap3A_299] {strides = array<i32>} : memref<1x4096xf32, #tpu.memory_space<vmem>>, vector<16xf32>,
      tpu.vector_store %arg8[%swap3A_298, %swap3A_299], %gather3A_268 {strides = array<i32>} : memref<1x4096xf32, #tpu.memory_space<vmem>>, vector<16xf32>,
      %add3A_301 = arith.constant 80 : i32
      %add3A_302 = arith.addi %mul3A_217, %add3A_301 : i32
      %swap3A_303 = arith.constant 0 : i32
      %swap3A_304 = arith.index_cast %swap3A_303 : i32 to index
      %swap3A_305 = arith.index_cast %add3A_302 : i32 to index
      %swap3A_306 = tpu.vector_load %arg8[%swap3A_304, %swap3A_305] {strides = array<i32>} : memref<1x4096xf32, #tpu.memory_space<vmem>>, vector<16xf32>,
      tpu.vector_store %arg8[%swap3A_304, %swap3A_305], %gather3A_269 {strides = array<i32>} : memref<1x4096xf32, #tpu.memory_space<vmem>>, vector<16xf32>,
      %add3A_307 = arith.constant 96 : i32
      %add3A_308 = arith.addi %mul3A_217, %add3A_307 : i32
      %swap3A_309 = arith.constant 0 : i32
      %swap3A_310 = arith.index_cast %swap3A_309 : i32 to index
      %swap3A_311 = arith.index_cast %add3A_308 : i32 to index
      %swap3A_312 = tpu.vector_load %arg8[%swap3A_310, %swap3A_311] {strides = array<i32>} : memref<1x4096xf32, #tpu.memory_space<vmem>>, vector<16xf32>,
      tpu.vector_store %arg8[%swap3A_310, %swap3A_311], %gather3A_270 {strides = array<i32>} : memref<1x4096xf32, #tpu.memory_space<vmem>>, vector<16xf32>,
      %add3A_313 = arith.constant 112 : i32
      %add3A_314 = arith.addi %mul3A_217, %add3A_313 : i32
      %swap3A_315 = arith.constant 0 : i32
      %swap3A_316 = arith.index_cast %swap3A_315 : i32 to index
      %swap3A_317 = arith.index_cast %add3A_314 : i32 to index
      %swap3A_318 = tpu.vector_load %arg8[%swap3A_316, %swap3A_317] {strides = array<i32>} : memref<1x4096xf32, #tpu.memory_space<vmem>>, vector<16xf32>,
      tpu.vector_store %arg8[%swap3A_316, %swap3A_317], %gather3A_271 {strides = array<i32>} : memref<1x4096xf32, #tpu.memory_space<vmem>>, vector<16xf32>,
    }
    %scan3A_160 = arith.constant 32 : i32
    %dma_start3A_161 = arith.constant 0 : i32
    %dma_start3A_162 = tpu.memref_slice %arg4[%add3A_130, %dma_start3A_161] : memref<64x16384xf32, #tpu.memory_space<hbm>> -> memref<1x4096xf32, #tpu.memory_space<hbm>>
    %dma_start3A_163 = arith.constant 0 : i32
    %dma_start3A_164 = tpu.memref_slice %arg4[%add3A_130, %dma_start3A_163] : memref<64x16384xf32, #tpu.memory_space<hbm>> -> memref<1x4096xf32, #tpu.memory_space<hbm>>
    tpu.enqueue_dma source(%arg8 : memref<1x4096xf32, #tpu.memory_space<vmem>>) target(%dma_start3A_164 : memref<1x4096xf32, #tpu.memory_space<hbm>>) target_semaphore(%arg13 : memref<!tpu.dma_semaphore, #tpu.memory_space<semaphore_mem>>)
    %dma_wait3A_165 = arith.constant 12288 : i32
    %dma_wait3A_166 = tpu.memref_slice %arg4[%add3A_39, %dma_wait3A_165] : memref<64x16384xf32, #tpu.memory_space<hbm>> -> memref<1x4096xf32, #tpu.memory_space<hbm>>
    %dma_wait3A_167 = arith.constant 12288 : i32
    %dma_wait3A_168 = tpu.memref_slice %arg4[%add3A_39, %dma_wait3A_167] : memref<64x16384xf32, #tpu.memory_space<hbm>> -> memref<1x4096xf32, #tpu.memory_space<hbm>>
    tpu.wait_dma2 semaphore(%arg13 : memref<!tpu.dma_semaphore, #tpu.memory_space<semaphore_mem>>) src(%arg9 : memref<1x4096xf32, #tpu.memory_space<vmem>>) dst(%dma_wait3A_168 : memref<1x4096xf32, #tpu.memory_space<hbm>>)
    %scan3A_169 = arith.constant 0 : i32
    %scan3A_170 = arith.constant 0 : i32
    %scan3A_171 = arith.constant 32 : i32
    %scan3A_172 = arith.addi %scan3A_170, %scan3A_171 : i32
    %scan3A_173 = arith.constant 1 : i32
    scf.for %scan3A_215 = %scan3A_170 to %scan3A_172 step %scan3A_173  : i32 {
      %mul3A_216 = arith.constant 128 : i32
      %mul3A_217 = arith.muli %scan3A_215, %mul3A_216 : i32
      %add3A_218 = arith.constant 4096 : i32
      %add3A_219 = arith.addi %add3A_218, %mul3A_217 : i32
      %add3A_220 = arith.constant 0 : i32
      %add3A_221 = arith.addi %add3A_219, %add3A_220 : i32
      %get3A = arith.index_cast %add3A_221 : i32 to index
      %get3A_222 = tpu.vector_load %arg6[%get3A] {strides = array<i32>} : memref<8192xi32, #tpu.memory_space<vmem>>, vector<16xi32>,
      %add3A_223 = arith.constant 4096 : i32
      %add3A_224 = arith.addi %add3A_223, %mul3A_217 : i32
      %add3A_225 = arith.constant 16 : i32
      %add3A_226 = arith.addi %add3A_224, %add3A_225 : i32
      %get3A_227 = arith.index_cast %add3A_226 : i32 to index
      %get3A_228 = tpu.vector_load %arg6[%get3A_227] {strides = array<i32>} : memref<8192xi32, #tpu.memory_space<vmem>>, vector<16xi32>,
      %add3A_229 = arith.constant 4096 : i32
      %add3A_230 = arith.addi %add3A_229, %mul3A_217 : i32
      %add3A_231 = arith.constant 32 : i32
      %add3A_232 = arith.addi %add3A_230, %add3A_231 : i32
      %get3A_233 = arith.index_cast %add3A_232 : i32 to index
      %get3A_234 = tpu.vector_load %arg6[%get3A_233] {strides = array<i32>} : memref<8192xi32, #tpu.memory_space<vmem>>, vector<16xi32>,
      %add3A_235 = arith.constant 4096 : i32
      %add3A_236 = arith.addi %add3A_235, %mul3A_217 : i32
      %add3A_237 = arith.constant 48 : i32
      %add3A_238 = arith.addi %add3A_236, %add3A_237 : i32
      %get3A_239 = arith.index_cast %add3A_238 : i32 to index
      %get3A_240 = tpu.vector_load %arg6[%get3A_239] {strides = array<i32>} : memref<8192xi32, #tpu.memory_space<vmem>>, vector<16xi32>,
      %add3A_241 = arith.constant 4096 : i32
      %add3A_242 = arith.addi %add3A_241, %mul3A_217 : i32
      %add3A_243 = arith.constant 64 : i32
      %add3A_244 = arith.addi %add3A_242, %add3A_243 : i32
      %get3A_245 = arith.index_cast %add3A_244 : i32 to index
      %get3A_246 = tpu.vector_load %arg6[%get3A_245] {strides = array<i32>} : memref<8192xi32, #tpu.memory_space<vmem>>, vector<16xi32>,
      %add3A_247 = arith.constant 4096 : i32
      %add3A_248 = arith.addi %add3A_247, %mul3A_217 : i32
      %add3A_249 = arith.constant 80 : i32
      %add3A_250 = arith.addi %add3A_248, %add3A_249 : i32
      %get3A_251 = arith.index_cast %add3A_250 : i32 to index
      %get3A_252 = tpu.vector_load %arg6[%get3A_251] {strides = array<i32>} : memref<8192xi32, #tpu.memory_space<vmem>>, vector<16xi32>,
      %add3A_253 = arith.constant 4096 : i32
      %add3A_254 = arith.addi %add3A_253, %mul3A_217 : i32
      %add3A_255 = arith.constant 96 : i32
      %add3A_256 = arith.addi %add3A_254, %add3A_255 : i32
      %get3A_257 = arith.index_cast %add3A_256 : i32 to index
      %get3A_258 = tpu.vector_load %arg6[%get3A_257] {strides = array<i32>} : memref<8192xi32, #tpu.memory_space<vmem>>, vector<16xi32>,
      %add3A_259 = arith.constant 4096 : i32
      %add3A_260 = arith.addi %add3A_259, %mul3A_217 : i32
      %add3A_261 = arith.constant 112 : i32
      %add3A_262 = arith.addi %add3A_260, %add3A_261 : i32
      %get3A_263 = arith.index_cast %add3A_262 : i32 to index
      %get3A_264 = tpu.vector_load %arg6[%get3A_263] {strides = array<i32>} : memref<8192xi32, #tpu.memory_space<vmem>>, vector<16xi32>,
      %gather3A = tpu.vector_load_idx %arg5[%broadcast_in_dim3A_3, %get3A_222] : memref<1x100000xf32, #tpu.memory_space<vmem>>[vector<16xi32>, vector<16xi32>], vector<16xf32>,
      %gather3A_265 = tpu.vector_load_idx %arg5[%broadcast_in_dim3A_3, %get3A_228] : memref<1x100000xf32, #tpu.memory_space<vmem>>[vector<16xi32>, vector<16xi32>], vector<16xf32>,
      %gather3A_266 = tpu.vector_load_idx %arg5[%broadcast_in_dim3A_3, %get3A_234] : memref<1x100000xf32, #tpu.memory_space<vmem>>[vector<16xi32>, vector<16xi32>], vector<16xf32>,
      %gather3A_267 = tpu.vector_load_idx %arg5[%broadcast_in_dim3A_3, %get3A_240] : memref<1x100000xf32, #tpu.memory_space<vmem>>[vector<16xi32>, vector<16xi32>], vector<16xf32>,
      %gather3A_268 = tpu.vector_load_idx %arg5[%broadcast_in_dim3A_3, %get3A_246] : memref<1x100000xf32, #tpu.memory_space<vmem>>[vector<16xi32>, vector<16xi32>], vector<16xf32>,
      %gather3A_269 = tpu.vector_load_idx %arg5[%broadcast_in_dim3A_3, %get3A_252] : memref<1x100000xf32, #tpu.memory_space<vmem>>[vector<16xi32>, vector<16xi32>], vector<16xf32>,
      %gather3A_270 = tpu.vector_load_idx %arg5[%broadcast_in_dim3A_3, %get3A_258] : memref<1x100000xf32, #tpu.memory_space<vmem>>[vector<16xi32>, vector<16xi32>], vector<16xf32>,
      %gather3A_271 = tpu.vector_load_idx %arg5[%broadcast_in_dim3A_3, %get3A_264] : memref<1x100000xf32, #tpu.memory_space<vmem>>[vector<16xi32>, vector<16xi32>], vector<16xf32>,
      %add3A_272 = arith.constant 0 : i32
      %add3A_273 = arith.addi %mul3A_217, %add3A_272 : i32
      %swap3A = arith.constant 0 : i32
      %swap3A_274 = arith.index_cast %swap3A : i32 to index
      %swap3A_275 = arith.index_cast %add3A_273 : i32 to index
      %swap3A_276 = tpu.vector_load %arg9[%swap3A_274, %swap3A_275] {strides = array<i32>} : memref<1x4096xf32, #tpu.memory_space<vmem>>, vector<16xf32>,
      tpu.vector_store %arg9[%swap3A_274, %swap3A_275], %gather3A {strides = array<i32>} : memref<1x4096xf32, #tpu.memory_space<vmem>>, vector<16xf32>,
      %add3A_277 = arith.constant 16 : i32
      %add3A_278 = arith.addi %mul3A_217, %add3A_277 : i32
      %swap3A_279 = arith.constant 0 : i32
      %swap3A_280 = arith.index_cast %swap3A_279 : i32 to index
      %swap3A_281 = arith.index_cast %add3A_278 : i32 to index
      %swap3A_282 = tpu.vector_load %arg9[%swap3A_280, %swap3A_281] {strides = array<i32>} : memref<1x4096xf32, #tpu.memory_space<vmem>>, vector<16xf32>,
      tpu.vector_store %arg9[%swap3A_280, %swap3A_281], %gather3A_265 {strides = array<i32>} : memref<1x4096xf32, #tpu.memory_space<vmem>>, vector<16xf32>,
      %add3A_283 = arith.constant 32 : i32
      %add3A_284 = arith.addi %mul3A_217, %add3A_283 : i32
      %swap3A_285 = arith.constant 0 : i32
      %swap3A_286 = arith.index_cast %swap3A_285 : i32 to index
      %swap3A_287 = arith.index_cast %add3A_284 : i32 to index
      %swap3A_288 = tpu.vector_load %arg9[%swap3A_286, %swap3A_287] {strides = array<i32>} : memref<1x4096xf32, #tpu.memory_space<vmem>>, vector<16xf32>,
      tpu.vector_store %arg9[%swap3A_286, %swap3A_287], %gather3A_266 {strides = array<i32>} : memref<1x4096xf32, #tpu.memory_space<vmem>>, vector<16xf32>,
      %add3A_289 = arith.constant 48 : i32
      %add3A_290 = arith.addi %mul3A_217, %add3A_289 : i32
      %swap3A_291 = arith.constant 0 : i32
      %swap3A_292 = arith.index_cast %swap3A_291 : i32 to index
      %swap3A_293 = arith.index_cast %add3A_290 : i32 to index
      %swap3A_294 = tpu.vector_load %arg9[%swap3A_292, %swap3A_293] {strides = array<i32>} : memref<1x4096xf32, #tpu.memory_space<vmem>>, vector<16xf32>,
      tpu.vector_store %arg9[%swap3A_292, %swap3A_293], %gather3A_267 {strides = array<i32>} : memref<1x4096xf32, #tpu.memory_space<vmem>>, vector<16xf32>,
      %add3A_295 = arith.constant 64 : i32
      %add3A_296 = arith.addi %mul3A_217, %add3A_295 : i32
      %swap3A_297 = arith.constant 0 : i32
      %swap3A_298 = arith.index_cast %swap3A_297 : i32 to index
      %swap3A_299 = arith.index_cast %add3A_296 : i32 to index
      %swap3A_300 = tpu.vector_load %arg9[%swap3A_298, %swap3A_299] {strides = array<i32>} : memref<1x4096xf32, #tpu.memory_space<vmem>>, vector<16xf32>,
      tpu.vector_store %arg9[%swap3A_298, %swap3A_299], %gather3A_268 {strides = array<i32>} : memref<1x4096xf32, #tpu.memory_space<vmem>>, vector<16xf32>,
      %add3A_301 = arith.constant 80 : i32
      %add3A_302 = arith.addi %mul3A_217, %add3A_301 : i32
      %swap3A_303 = arith.constant 0 : i32
      %swap3A_304 = arith.index_cast %swap3A_303 : i32 to index
      %swap3A_305 = arith.index_cast %add3A_302 : i32 to index
      %swap3A_306 = tpu.vector_load %arg9[%swap3A_304, %swap3A_305] {strides = array<i32>} : memref<1x4096xf32, #tpu.memory_space<vmem>>, vector<16xf32>,
      tpu.vector_store %arg9[%swap3A_304, %swap3A_305], %gather3A_269 {strides = array<i32>} : memref<1x4096xf32, #tpu.memory_space<vmem>>, vector<16xf32>,
      %add3A_307 = arith.constant 96 : i32
      %add3A_308 = arith.addi %mul3A_217, %add3A_307 : i32
      %swap3A_309 = arith.constant 0 : i32
      %swap3A_310 = arith.index_cast %swap3A_309 : i32 to index
      %swap3A_311 = arith.index_cast %add3A_308 : i32 to index
      %swap3A_312 = tpu.vector_load %arg9[%swap3A_310, %swap3A_311] {strides = array<i32>} : memref<1x4096xf32, #tpu.memory_space<vmem>>, vector<16xf32>,
      tpu.vector_store %arg9[%swap3A_310, %swap3A_311], %gather3A_270 {strides = array<i32>} : memref<1x4096xf32, #tpu.memory_space<vmem>>, vector<16xf32>,
      %add3A_313 = arith.constant 112 : i32
      %add3A_314 = arith.addi %mul3A_217, %add3A_313 : i32
      %swap3A_315 = arith.constant 0 : i32
      %swap3A_316 = arith.index_cast %swap3A_315 : i32 to index
      %swap3A_317 = arith.index_cast %add3A_314 : i32 to index
      %swap3A_318 = tpu.vector_load %arg9[%swap3A_316, %swap3A_317] {strides = array<i32>} : memref<1x4096xf32, #tpu.memory_space<vmem>>, vector<16xf32>,
      tpu.vector_store %arg9[%swap3A_316, %swap3A_317], %gather3A_271 {strides = array<i32>} : memref<1x4096xf32, #tpu.memory_space<vmem>>, vector<16xf32>,
    }
    %scan3A_174 = arith.constant 32 : i32
    %dma_start3A_175 = arith.constant 4096 : i32
    %dma_start3A_176 = tpu.memref_slice %arg4[%add3A_130, %dma_start3A_175] : memref<64x16384xf32, #tpu.memory_space<hbm>> -> memref<1x4096xf32, #tpu.memory_space<hbm>>
    %dma_start3A_177 = arith.constant 4096 : i32
    %dma_start3A_178 = tpu.memref_slice %arg4[%add3A_130, %dma_start3A_177] : memref<64x16384xf32, #tpu.memory_space<hbm>> -> memref<1x4096xf32, #tpu.memory_space<hbm>>
    tpu.enqueue_dma source(%arg9 : memref<1x4096xf32, #tpu.memory_space<vmem>>) target(%dma_start3A_178 : memref<1x4096xf32, #tpu.memory_space<hbm>>) target_semaphore(%arg13 : memref<!tpu.dma_semaphore, #tpu.memory_space<semaphore_mem>>)
    %dma_wait3A_179 = arith.constant 0 : i32
    %dma_wait3A_180 = tpu.memref_slice %arg4[%add3A_130, %dma_wait3A_179] : memref<64x16384xf32, #tpu.memory_space<hbm>> -> memref<1x4096xf32, #tpu.memory_space<hbm>>
    %dma_wait3A_181 = arith.constant 0 : i32
    %dma_wait3A_182 = tpu.memref_slice %arg4[%add3A_130, %dma_wait3A_181] : memref<64x16384xf32, #tpu.memory_space<hbm>> -> memref<1x4096xf32, #tpu.memory_space<hbm>>
    tpu.wait_dma2 semaphore(%arg13 : memref<!tpu.dma_semaphore, #tpu.memory_space<semaphore_mem>>) src(%arg8 : memref<1x4096xf32, #tpu.memory_space<vmem>>) dst(%dma_wait3A_182 : memref<1x4096xf32, #tpu.memory_space<hbm>>)
    %scan3A_183 = arith.constant 0 : i32
    %scan3A_184 = arith.constant 0 : i32
    %scan3A_185 = arith.constant 32 : i32
    %scan3A_186 = arith.addi %scan3A_184, %scan3A_185 : i32
    %scan3A_187 = arith.constant 1 : i32
    scf.for %scan3A_215 = %scan3A_184 to %scan3A_186 step %scan3A_187  : i32 {
      %mul3A_216 = arith.constant 128 : i32
      %mul3A_217 = arith.muli %scan3A_215, %mul3A_216 : i32
      %add3A_218 = arith.constant 0 : i32
      %add3A_219 = arith.addi %add3A_218, %mul3A_217 : i32
      %add3A_220 = arith.constant 0 : i32
      %add3A_221 = arith.addi %add3A_219, %add3A_220 : i32
      %get3A = arith.index_cast %add3A_221 : i32 to index
      %get3A_222 = tpu.vector_load %arg7[%get3A] {strides = array<i32>} : memref<8192xi32, #tpu.memory_space<vmem>>, vector<16xi32>,
      %add3A_223 = arith.constant 0 : i32
      %add3A_224 = arith.addi %add3A_223, %mul3A_217 : i32
      %add3A_225 = arith.constant 16 : i32
      %add3A_226 = arith.addi %add3A_224, %add3A_225 : i32
      %get3A_227 = arith.index_cast %add3A_226 : i32 to index
      %get3A_228 = tpu.vector_load %arg7[%get3A_227] {strides = array<i32>} : memref<8192xi32, #tpu.memory_space<vmem>>, vector<16xi32>,
      %add3A_229 = arith.constant 0 : i32
      %add3A_230 = arith.addi %add3A_229, %mul3A_217 : i32
      %add3A_231 = arith.constant 32 : i32
      %add3A_232 = arith.addi %add3A_230, %add3A_231 : i32
      %get3A_233 = arith.index_cast %add3A_232 : i32 to index
      %get3A_234 = tpu.vector_load %arg7[%get3A_233] {strides = array<i32>} : memref<8192xi32, #tpu.memory_space<vmem>>, vector<16xi32>,
      %add3A_235 = arith.constant 0 : i32
      %add3A_236 = arith.addi %add3A_235, %mul3A_217 : i32
      %add3A_237 = arith.constant 48 : i32
      %add3A_238 = arith.addi %add3A_236, %add3A_237 : i32
      %get3A_239 = arith.index_cast %add3A_238 : i32 to index
      %get3A_240 = tpu.vector_load %arg7[%get3A_239] {strides = array<i32>} : memref<8192xi32, #tpu.memory_space<vmem>>, vector<16xi32>,
      %add3A_241 = arith.constant 0 : i32
      %add3A_242 = arith.addi %add3A_241, %mul3A_217 : i32
      %add3A_243 = arith.constant 64 : i32
      %add3A_244 = arith.addi %add3A_242, %add3A_243 : i32
      %get3A_245 = arith.index_cast %add3A_244 : i32 to index
      %get3A_246 = tpu.vector_load %arg7[%get3A_245] {strides = array<i32>} : memref<8192xi32, #tpu.memory_space<vmem>>, vector<16xi32>,
      %add3A_247 = arith.constant 0 : i32
      %add3A_248 = arith.addi %add3A_247, %mul3A_217 : i32
      %add3A_249 = arith.constant 80 : i32
      %add3A_250 = arith.addi %add3A_248, %add3A_249 : i32
      %get3A_251 = arith.index_cast %add3A_250 : i32 to index
      %get3A_252 = tpu.vector_load %arg7[%get3A_251] {strides = array<i32>} : memref<8192xi32, #tpu.memory_space<vmem>>, vector<16xi32>,
      %add3A_253 = arith.constant 0 : i32
      %add3A_254 = arith.addi %add3A_253, %mul3A_217 : i32
      %add3A_255 = arith.constant 96 : i32
      %add3A_256 = arith.addi %add3A_254, %add3A_255 : i32
      %get3A_257 = arith.index_cast %add3A_256 : i32 to index
      %get3A_258 = tpu.vector_load %arg7[%get3A_257] {strides = array<i32>} : memref<8192xi32, #tpu.memory_space<vmem>>, vector<16xi32>,
      %add3A_259 = arith.constant 0 : i32
      %add3A_260 = arith.addi %add3A_259, %mul3A_217 : i32
      %add3A_261 = arith.constant 112 : i32
      %add3A_262 = arith.addi %add3A_260, %add3A_261 : i32
      %get3A_263 = arith.index_cast %add3A_262 : i32 to index
      %get3A_264 = tpu.vector_load %arg7[%get3A_263] {strides = array<i32>} : memref<8192xi32, #tpu.memory_space<vmem>>, vector<16xi32>,
      %gather3A = tpu.vector_load_idx %arg5[%broadcast_in_dim3A_3, %get3A_222] : memref<1x100000xf32, #tpu.memory_space<vmem>>[vector<16xi32>, vector<16xi32>], vector<16xf32>,
      %gather3A_265 = tpu.vector_load_idx %arg5[%broadcast_in_dim3A_3, %get3A_228] : memref<1x100000xf32, #tpu.memory_space<vmem>>[vector<16xi32>, vector<16xi32>], vector<16xf32>,
      %gather3A_266 = tpu.vector_load_idx %arg5[%broadcast_in_dim3A_3, %get3A_234] : memref<1x100000xf32, #tpu.memory_space<vmem>>[vector<16xi32>, vector<16xi32>], vector<16xf32>,
      %gather3A_267 = tpu.vector_load_idx %arg5[%broadcast_in_dim3A_3, %get3A_240] : memref<1x100000xf32, #tpu.memory_space<vmem>>[vector<16xi32>, vector<16xi32>], vector<16xf32>,
      %gather3A_268 = tpu.vector_load_idx %arg5[%broadcast_in_dim3A_3, %get3A_246] : memref<1x100000xf32, #tpu.memory_space<vmem>>[vector<16xi32>, vector<16xi32>], vector<16xf32>,
      %gather3A_269 = tpu.vector_load_idx %arg5[%broadcast_in_dim3A_3, %get3A_252] : memref<1x100000xf32, #tpu.memory_space<vmem>>[vector<16xi32>, vector<16xi32>], vector<16xf32>,
      %gather3A_270 = tpu.vector_load_idx %arg5[%broadcast_in_dim3A_3, %get3A_258] : memref<1x100000xf32, #tpu.memory_space<vmem>>[vector<16xi32>, vector<16xi32>], vector<16xf32>,
      %gather3A_271 = tpu.vector_load_idx %arg5[%broadcast_in_dim3A_3, %get3A_264] : memref<1x100000xf32, #tpu.memory_space<vmem>>[vector<16xi32>, vector<16xi32>], vector<16xf32>,
      %add3A_272 = arith.constant 0 : i32
      %add3A_273 = arith.addi %mul3A_217, %add3A_272 : i32
      %swap3A = arith.constant 0 : i32
      %swap3A_274 = arith.index_cast %swap3A : i32 to index
      %swap3A_275 = arith.index_cast %add3A_273 : i32 to index
      %swap3A_276 = tpu.vector_load %arg8[%swap3A_274, %swap3A_275] {strides = array<i32>} : memref<1x4096xf32, #tpu.memory_space<vmem>>, vector<16xf32>,
      tpu.vector_store %arg8[%swap3A_274, %swap3A_275], %gather3A {strides = array<i32>} : memref<1x4096xf32, #tpu.memory_space<vmem>>, vector<16xf32>,
      %add3A_277 = arith.constant 16 : i32
      %add3A_278 = arith.addi %mul3A_217, %add3A_277 : i32
      %swap3A_279 = arith.constant 0 : i32
      %swap3A_280 = arith.index_cast %swap3A_279 : i32 to index
      %swap3A_281 = arith.index_cast %add3A_278 : i32 to index
      %swap3A_282 = tpu.vector_load %arg8[%swap3A_280, %swap3A_281] {strides = array<i32>} : memref<1x4096xf32, #tpu.memory_space<vmem>>, vector<16xf32>,
      tpu.vector_store %arg8[%swap3A_280, %swap3A_281], %gather3A_265 {strides = array<i32>} : memref<1x4096xf32, #tpu.memory_space<vmem>>, vector<16xf32>,
      %add3A_283 = arith.constant 32 : i32
      %add3A_284 = arith.addi %mul3A_217, %add3A_283 : i32
      %swap3A_285 = arith.constant 0 : i32
      %swap3A_286 = arith.index_cast %swap3A_285 : i32 to index
      %swap3A_287 = arith.index_cast %add3A_284 : i32 to index
      %swap3A_288 = tpu.vector_load %arg8[%swap3A_286, %swap3A_287] {strides = array<i32>} : memref<1x4096xf32, #tpu.memory_space<vmem>>, vector<16xf32>,
      tpu.vector_store %arg8[%swap3A_286, %swap3A_287], %gather3A_266 {strides = array<i32>} : memref<1x4096xf32, #tpu.memory_space<vmem>>, vector<16xf32>,
      %add3A_289 = arith.constant 48 : i32
      %add3A_290 = arith.addi %mul3A_217, %add3A_289 : i32
      %swap3A_291 = arith.constant 0 : i32
      %swap3A_292 = arith.index_cast %swap3A_291 : i32 to index
      %swap3A_293 = arith.index_cast %add3A_290 : i32 to index
      %swap3A_294 = tpu.vector_load %arg8[%swap3A_292, %swap3A_293] {strides = array<i32>} : memref<1x4096xf32, #tpu.memory_space<vmem>>, vector<16xf32>,
      tpu.vector_store %arg8[%swap3A_292, %swap3A_293], %gather3A_267 {strides = array<i32>} : memref<1x4096xf32, #tpu.memory_space<vmem>>, vector<16xf32>,
      %add3A_295 = arith.constant 64 : i32
      %add3A_296 = arith.addi %mul3A_217, %add3A_295 : i32
      %swap3A_297 = arith.constant 0 : i32
      %swap3A_298 = arith.index_cast %swap3A_297 : i32 to index
      %swap3A_299 = arith.index_cast %add3A_296 : i32 to index
      %swap3A_300 = tpu.vector_load %arg8[%swap3A_298, %swap3A_299] {strides = array<i32>} : memref<1x4096xf32, #tpu.memory_space<vmem>>, vector<16xf32>,
      tpu.vector_store %arg8[%swap3A_298, %swap3A_299], %gather3A_268 {strides = array<i32>} : memref<1x4096xf32, #tpu.memory_space<vmem>>, vector<16xf32>,
      %add3A_301 = arith.constant 80 : i32
      %add3A_302 = arith.addi %mul3A_217, %add3A_301 : i32
      %swap3A_303 = arith.constant 0 : i32
      %swap3A_304 = arith.index_cast %swap3A_303 : i32 to index
      %swap3A_305 = arith.index_cast %add3A_302 : i32 to index
      %swap3A_306 = tpu.vector_load %arg8[%swap3A_304, %swap3A_305] {strides = array<i32>} : memref<1x4096xf32, #tpu.memory_space<vmem>>, vector<16xf32>,
      tpu.vector_store %arg8[%swap3A_304, %swap3A_305], %gather3A_269 {strides = array<i32>} : memref<1x4096xf32, #tpu.memory_space<vmem>>, vector<16xf32>,
      %add3A_307 = arith.constant 96 : i32
      %add3A_308 = arith.addi %mul3A_217, %add3A_307 : i32
      %swap3A_309 = arith.constant 0 : i32
      %swap3A_310 = arith.index_cast %swap3A_309 : i32 to index
      %swap3A_311 = arith.index_cast %add3A_308 : i32 to index
      %swap3A_312 = tpu.vector_load %arg8[%swap3A_310, %swap3A_311] {strides = array<i32>} : memref<1x4096xf32, #tpu.memory_space<vmem>>, vector<16xf32>,
      tpu.vector_store %arg8[%swap3A_310, %swap3A_311], %gather3A_270 {strides = array<i32>} : memref<1x4096xf32, #tpu.memory_space<vmem>>, vector<16xf32>,
      %add3A_313 = arith.constant 112 : i32
      %add3A_314 = arith.addi %mul3A_217, %add3A_313 : i32
      %swap3A_315 = arith.constant 0 : i32
      %swap3A_316 = arith.index_cast %swap3A_315 : i32 to index
      %swap3A_317 = arith.index_cast %add3A_314 : i32 to index
      %swap3A_318 = tpu.vector_load %arg8[%swap3A_316, %swap3A_317] {strides = array<i32>} : memref<1x4096xf32, #tpu.memory_space<vmem>>, vector<16xf32>,
      tpu.vector_store %arg8[%swap3A_316, %swap3A_317], %gather3A_271 {strides = array<i32>} : memref<1x4096xf32, #tpu.memory_space<vmem>>, vector<16xf32>,
    }
    %scan3A_188 = arith.constant 32 : i32
    %dma_start3A_189 = arith.constant 8192 : i32
    %dma_start3A_190 = tpu.memref_slice %arg4[%add3A_130, %dma_start3A_189] : memref<64x16384xf32, #tpu.memory_space<hbm>> -> memref<1x4096xf32, #tpu.memory_space<hbm>>
    %dma_start3A_191 = arith.constant 8192 : i32
    %dma_start3A_192 = tpu.memref_slice %arg4[%add3A_130, %dma_start3A_191] : memref<64x16384xf32, #tpu.memory_space<hbm>> -> memref<1x4096xf32, #tpu.memory_space<hbm>>
    tpu.enqueue_dma source(%arg8 : memref<1x4096xf32, #tpu.memory_space<vmem>>) target(%dma_start3A_192 : memref<1x4096xf32, #tpu.memory_space<hbm>>) target_semaphore(%arg13 : memref<!tpu.dma_semaphore, #tpu.memory_space<semaphore_mem>>)
    %dma_wait3A_193 = arith.constant 4096 : i32
    %dma_wait3A_194 = tpu.memref_slice %arg4[%add3A_130, %dma_wait3A_193] : memref<64x16384xf32, #tpu.memory_space<hbm>> -> memref<1x4096xf32, #tpu.memory_space<hbm>>
    %dma_wait3A_195 = arith.constant 4096 : i32
    %dma_wait3A_196 = tpu.memref_slice %arg4[%add3A_130, %dma_wait3A_195] : memref<64x16384xf32, #tpu.memory_space<hbm>> -> memref<1x4096xf32, #tpu.memory_space<hbm>>
    tpu.wait_dma2 semaphore(%arg13 : memref<!tpu.dma_semaphore, #tpu.memory_space<semaphore_mem>>) src(%arg9 : memref<1x4096xf32, #tpu.memory_space<vmem>>) dst(%dma_wait3A_196 : memref<1x4096xf32, #tpu.memory_space<hbm>>)
    %scan3A_197 = arith.constant 0 : i32
    %scan3A_198 = arith.constant 0 : i32
    %scan3A_199 = arith.constant 32 : i32
    %scan3A_200 = arith.addi %scan3A_198, %scan3A_199 : i32
    %scan3A_201 = arith.constant 1 : i32
    scf.for %scan3A_215 = %scan3A_198 to %scan3A_200 step %scan3A_201  : i32 {
      %mul3A_216 = arith.constant 128 : i32
      %mul3A_217 = arith.muli %scan3A_215, %mul3A_216 : i32
      %add3A_218 = arith.constant 4096 : i32
      %add3A_219 = arith.addi %add3A_218, %mul3A_217 : i32
      %add3A_220 = arith.constant 0 : i32
      %add3A_221 = arith.addi %add3A_219, %add3A_220 : i32
      %get3A = arith.index_cast %add3A_221 : i32 to index
      %get3A_222 = tpu.vector_load %arg7[%get3A] {strides = array<i32>} : memref<8192xi32, #tpu.memory_space<vmem>>, vector<16xi32>,
      %add3A_223 = arith.constant 4096 : i32
      %add3A_224 = arith.addi %add3A_223, %mul3A_217 : i32
      %add3A_225 = arith.constant 16 : i32
      %add3A_226 = arith.addi %add3A_224, %add3A_225 : i32
      %get3A_227 = arith.index_cast %add3A_226 : i32 to index
      %get3A_228 = tpu.vector_load %arg7[%get3A_227] {strides = array<i32>} : memref<8192xi32, #tpu.memory_space<vmem>>, vector<16xi32>,
      %add3A_229 = arith.constant 4096 : i32
      %add3A_230 = arith.addi %add3A_229, %mul3A_217 : i32
      %add3A_231 = arith.constant 32 : i32
      %add3A_232 = arith.addi %add3A_230, %add3A_231 : i32
      %get3A_233 = arith.index_cast %add3A_232 : i32 to index
      %get3A_234 = tpu.vector_load %arg7[%get3A_233] {strides = array<i32>} : memref<8192xi32, #tpu.memory_space<vmem>>, vector<16xi32>,
      %add3A_235 = arith.constant 4096 : i32
      %add3A_236 = arith.addi %add3A_235, %mul3A_217 : i32
      %add3A_237 = arith.constant 48 : i32
      %add3A_238 = arith.addi %add3A_236, %add3A_237 : i32
      %get3A_239 = arith.index_cast %add3A_238 : i32 to index
      %get3A_240 = tpu.vector_load %arg7[%get3A_239] {strides = array<i32>} : memref<8192xi32, #tpu.memory_space<vmem>>, vector<16xi32>,
      %add3A_241 = arith.constant 4096 : i32
      %add3A_242 = arith.addi %add3A_241, %mul3A_217 : i32
      %add3A_243 = arith.constant 64 : i32
      %add3A_244 = arith.addi %add3A_242, %add3A_243 : i32
      %get3A_245 = arith.index_cast %add3A_244 : i32 to index
      %get3A_246 = tpu.vector_load %arg7[%get3A_245] {strides = array<i32>} : memref<8192xi32, #tpu.memory_space<vmem>>, vector<16xi32>,
      %add3A_247 = arith.constant 4096 : i32
      %add3A_248 = arith.addi %add3A_247, %mul3A_217 : i32
      %add3A_249 = arith.constant 80 : i32
      %add3A_250 = arith.addi %add3A_248, %add3A_249 : i32
      %get3A_251 = arith.index_cast %add3A_250 : i32 to index
      %get3A_252 = tpu.vector_load %arg7[%get3A_251] {strides = array<i32>} : memref<8192xi32, #tpu.memory_space<vmem>>, vector<16xi32>,
      %add3A_253 = arith.constant 4096 : i32
      %add3A_254 = arith.addi %add3A_253, %mul3A_217 : i32
      %add3A_255 = arith.constant 96 : i32
      %add3A_256 = arith.addi %add3A_254, %add3A_255 : i32
      %get3A_257 = arith.index_cast %add3A_256 : i32 to index
      %get3A_258 = tpu.vector_load %arg7[%get3A_257] {strides = array<i32>} : memref<8192xi32, #tpu.memory_space<vmem>>, vector<16xi32>,
      %add3A_259 = arith.constant 4096 : i32
      %add3A_260 = arith.addi %add3A_259, %mul3A_217 : i32
      %add3A_261 = arith.constant 112 : i32
      %add3A_262 = arith.addi %add3A_260, %add3A_261 : i32
      %get3A_263 = arith.index_cast %add3A_262 : i32 to index
      %get3A_264 = tpu.vector_load %arg7[%get3A_263] {strides = array<i32>} : memref<8192xi32, #tpu.memory_space<vmem>>, vector<16xi32>,
      %gather3A = tpu.vector_load_idx %arg5[%broadcast_in_dim3A_3, %get3A_222] : memref<1x100000xf32, #tpu.memory_space<vmem>>[vector<16xi32>, vector<16xi32>], vector<16xf32>,
      %gather3A_265 = tpu.vector_load_idx %arg5[%broadcast_in_dim3A_3, %get3A_228] : memref<1x100000xf32, #tpu.memory_space<vmem>>[vector<16xi32>, vector<16xi32>], vector<16xf32>,
      %gather3A_266 = tpu.vector_load_idx %arg5[%broadcast_in_dim3A_3, %get3A_234] : memref<1x100000xf32, #tpu.memory_space<vmem>>[vector<16xi32>, vector<16xi32>], vector<16xf32>,
      %gather3A_267 = tpu.vector_load_idx %arg5[%broadcast_in_dim3A_3, %get3A_240] : memref<1x100000xf32, #tpu.memory_space<vmem>>[vector<16xi32>, vector<16xi32>], vector<16xf32>,
      %gather3A_268 = tpu.vector_load_idx %arg5[%broadcast_in_dim3A_3, %get3A_246] : memref<1x100000xf32, #tpu.memory_space<vmem>>[vector<16xi32>, vector<16xi32>], vector<16xf32>,
      %gather3A_269 = tpu.vector_load_idx %arg5[%broadcast_in_dim3A_3, %get3A_252] : memref<1x100000xf32, #tpu.memory_space<vmem>>[vector<16xi32>, vector<16xi32>], vector<16xf32>,
      %gather3A_270 = tpu.vector_load_idx %arg5[%broadcast_in_dim3A_3, %get3A_258] : memref<1x100000xf32, #tpu.memory_space<vmem>>[vector<16xi32>, vector<16xi32>], vector<16xf32>,
      %gather3A_271 = tpu.vector_load_idx %arg5[%broadcast_in_dim3A_3, %get3A_264] : memref<1x100000xf32, #tpu.memory_space<vmem>>[vector<16xi32>, vector<16xi32>], vector<16xf32>,
      %add3A_272 = arith.constant 0 : i32
      %add3A_273 = arith.addi %mul3A_217, %add3A_272 : i32
      %swap3A = arith.constant 0 : i32
      %swap3A_274 = arith.index_cast %swap3A : i32 to index
      %swap3A_275 = arith.index_cast %add3A_273 : i32 to index
      %swap3A_276 = tpu.vector_load %arg9[%swap3A_274, %swap3A_275] {strides = array<i32>} : memref<1x4096xf32, #tpu.memory_space<vmem>>, vector<16xf32>,
      tpu.vector_store %arg9[%swap3A_274, %swap3A_275], %gather3A {strides = array<i32>} : memref<1x4096xf32, #tpu.memory_space<vmem>>, vector<16xf32>,
      %add3A_277 = arith.constant 16 : i32
      %add3A_278 = arith.addi %mul3A_217, %add3A_277 : i32
      %swap3A_279 = arith.constant 0 : i32
      %swap3A_280 = arith.index_cast %swap3A_279 : i32 to index
      %swap3A_281 = arith.index_cast %add3A_278 : i32 to index
      %swap3A_282 = tpu.vector_load %arg9[%swap3A_280, %swap3A_281] {strides = array<i32>} : memref<1x4096xf32, #tpu.memory_space<vmem>>, vector<16xf32>,
      tpu.vector_store %arg9[%swap3A_280, %swap3A_281], %gather3A_265 {strides = array<i32>} : memref<1x4096xf32, #tpu.memory_space<vmem>>, vector<16xf32>,
      %add3A_283 = arith.constant 32 : i32
      %add3A_284 = arith.addi %mul3A_217, %add3A_283 : i32
      %swap3A_285 = arith.constant 0 : i32
      %swap3A_286 = arith.index_cast %swap3A_285 : i32 to index
      %swap3A_287 = arith.index_cast %add3A_284 : i32 to index
      %swap3A_288 = tpu.vector_load %arg9[%swap3A_286, %swap3A_287] {strides = array<i32>} : memref<1x4096xf32, #tpu.memory_space<vmem>>, vector<16xf32>,
      tpu.vector_store %arg9[%swap3A_286, %swap3A_287], %gather3A_266 {strides = array<i32>} : memref<1x4096xf32, #tpu.memory_space<vmem>>, vector<16xf32>,
      %add3A_289 = arith.constant 48 : i32
      %add3A_290 = arith.addi %mul3A_217, %add3A_289 : i32
      %swap3A_291 = arith.constant 0 : i32
      %swap3A_292 = arith.index_cast %swap3A_291 : i32 to index
      %swap3A_293 = arith.index_cast %add3A_290 : i32 to index
      %swap3A_294 = tpu.vector_load %arg9[%swap3A_292, %swap3A_293] {strides = array<i32>} : memref<1x4096xf32, #tpu.memory_space<vmem>>, vector<16xf32>,
      tpu.vector_store %arg9[%swap3A_292, %swap3A_293], %gather3A_267 {strides = array<i32>} : memref<1x4096xf32, #tpu.memory_space<vmem>>, vector<16xf32>,
      %add3A_295 = arith.constant 64 : i32
      %add3A_296 = arith.addi %mul3A_217, %add3A_295 : i32
      %swap3A_297 = arith.constant 0 : i32
      %swap3A_298 = arith.index_cast %swap3A_297 : i32 to index
      %swap3A_299 = arith.index_cast %add3A_296 : i32 to index
      %swap3A_300 = tpu.vector_load %arg9[%swap3A_298, %swap3A_299] {strides = array<i32>} : memref<1x4096xf32, #tpu.memory_space<vmem>>, vector<16xf32>,
      tpu.vector_store %arg9[%swap3A_298, %swap3A_299], %gather3A_268 {strides = array<i32>} : memref<1x4096xf32, #tpu.memory_space<vmem>>, vector<16xf32>,
      %add3A_301 = arith.constant 80 : i32
      %add3A_302 = arith.addi %mul3A_217, %add3A_301 : i32
      %swap3A_303 = arith.constant 0 : i32
      %swap3A_304 = arith.index_cast %swap3A_303 : i32 to index
      %swap3A_305 = arith.index_cast %add3A_302 : i32 to index
      %swap3A_306 = tpu.vector_load %arg9[%swap3A_304, %swap3A_305] {strides = array<i32>} : memref<1x4096xf32, #tpu.memory_space<vmem>>, vector<16xf32>,
      tpu.vector_store %arg9[%swap3A_304, %swap3A_305], %gather3A_269 {strides = array<i32>} : memref<1x4096xf32, #tpu.memory_space<vmem>>, vector<16xf32>,
      %add3A_307 = arith.constant 96 : i32
      %add3A_308 = arith.addi %mul3A_217, %add3A_307 : i32
      %swap3A_309 = arith.constant 0 : i32
      %swap3A_310 = arith.index_cast %swap3A_309 : i32 to index
      %swap3A_311 = arith.index_cast %add3A_308 : i32 to index
      %swap3A_312 = tpu.vector_load %arg9[%swap3A_310, %swap3A_311] {strides = array<i32>} : memref<1x4096xf32, #tpu.memory_space<vmem>>, vector<16xf32>,
      tpu.vector_store %arg9[%swap3A_310, %swap3A_311], %gather3A_270 {strides = array<i32>} : memref<1x4096xf32, #tpu.memory_space<vmem>>, vector<16xf32>,
      %add3A_313 = arith.constant 112 : i32
      %add3A_314 = arith.addi %mul3A_217, %add3A_313 : i32
      %swap3A_315 = arith.constant 0 : i32
      %swap3A_316 = arith.index_cast %swap3A_315 : i32 to index
      %swap3A_317 = arith.index_cast %add3A_314 : i32 to index
      %swap3A_318 = tpu.vector_load %arg9[%swap3A_316, %swap3A_317] {strides = array<i32>} : memref<1x4096xf32, #tpu.memory_space<vmem>>, vector<16xf32>,
      tpu.vector_store %arg9[%swap3A_316, %swap3A_317], %gather3A_271 {strides = array<i32>} : memref<1x4096xf32, #tpu.memory_space<vmem>>, vector<16xf32>,
    }
    %scan3A_202 = arith.constant 32 : i32
    %dma_start3A_203 = arith.constant 12288 : i32
    %dma_start3A_204 = tpu.memref_slice %arg4[%add3A_130, %dma_start3A_203] : memref<64x16384xf32, #tpu.memory_space<hbm>> -> memref<1x4096xf32, #tpu.memory_space<hbm>>
    %dma_start3A_205 = arith.constant 12288 : i32
    %dma_start3A_206 = tpu.memref_slice %arg4[%add3A_130, %dma_start3A_205] : memref<64x16384xf32, #tpu.memory_space<hbm>> -> memref<1x4096xf32, #tpu.memory_space<hbm>>
    tpu.enqueue_dma source(%arg9 : memref<1x4096xf32, #tpu.memory_space<vmem>>) target(%dma_start3A_206 : memref<1x4096xf32, #tpu.memory_space<hbm>>) target_semaphore(%arg13 : memref<!tpu.dma_semaphore, #tpu.memory_space<semaphore_mem>>)
    %dma_wait3A_207 = arith.constant 8192 : i32
    %dma_wait3A_208 = tpu.memref_slice %arg4[%add3A_130, %dma_wait3A_207] : memref<64x16384xf32, #tpu.memory_space<hbm>> -> memref<1x4096xf32, #tpu.memory_space<hbm>>
    %dma_wait3A_209 = arith.constant 8192 : i32
    %dma_wait3A_210 = tpu.memref_slice %arg4[%add3A_130, %dma_wait3A_209] : memref<64x16384xf32, #tpu.memory_space<hbm>> -> memref<1x4096xf32, #tpu.memory_space<hbm>>
    tpu.wait_dma2 semaphore(%arg13 : memref<!tpu.dma_semaphore, #tpu.memory_space<semaphore_mem>>) src(%arg8 : memref<1x4096xf32, #tpu.memory_space<vmem>>) dst(%dma_wait3A_210 : memref<1x4096xf32, #tpu.memory_space<hbm>>)
    %dma_wait3A_211 = arith.constant 12288 : i32
    %dma_wait3A_212 = tpu.memref_slice %arg4[%add3A_130, %dma_wait3A_211] : memref<64x16384xf32, #tpu.memory_space<hbm>> -> memref<1x4096xf32, #tpu.memory_space<hbm>>
    %dma_wait3A_213 = arith.constant 12288 : i32
    %dma_wait3A_214 = tpu.memref_slice %arg4[%add3A_130, %dma_wait3A_213] : memref<64x16384xf32, #tpu.memory_space<hbm>> -> memref<1x4096xf32, #tpu.memory_space<hbm>>
    tpu.wait_dma2 semaphore(%arg13 : memref<!tpu.dma_semaphore, #tpu.memory_space<semaphore_mem>>) src(%arg9 : memref<1x4096xf32, #tpu.memory_space<vmem>>) dst(%dma_wait3A_214 : memref<1x4096xf32, #tpu.memory_space<hbm>>)
    return
  }
}

</mosaic_0001>

<sc_bundles>
// kernel: kernel.3.cloned.1.call-start
scs
__scs_entry_jumppad:
0x0: {  	(pc) =	sbr.rel $0x88, $3  }
0x1: {  	(tag) =	ssettag $0x0;
	lr =	simm.s32 $0x1  }
0x2: {  	[smem:$0x3F9F] =	sst lr;
	_ =	strace $0xD0000000  }
0x3: {  	_ = 	snop  }
0x4: {  	_ = 	snop  }
0x5: {  	_ = 	snop  }
0x6: {  	_ = 	snop  }
0x7: {  	_ = 	snop  }
__scs_overlays_trampoline_lowered:
0x8: {  	[smem:$0x3FAE] =	sst s0  }
0x9: {  	[smem:$0x3FAF] =	sst s1  }
0xa: {  	[smem:$0x3FB0] =	sst s2  }
0xb: {  	[smem:$0x3FB1] =	sst s3  }
0xc: {  	[smem:$0x3FB2] =	sst s4  }
0xd: {  	[smem:$0x3FB3] =	sst s5  }
0xe: {  	[smem:$0x3FB4] =	sst s6  }
0xf: {  	[smem:$0x3FB5] =	sst s7  }
0x10: {  	[smem:$0x3FB6] =	sst s8  }
0x11: {  	[smem:$0x3FB7] =	sst s9;
	s0 =	simm.s32 @!p0 $0x0  }
0x12: {  	s1 =	sld [smem:$0x3F9D];
	s0 =	simm.s32 @p0 $0x1  }
0x13: {  	[smem:$0x3FB8] =	sst s0;
	s0 =	simm.s32 @!p1 $0x0  }
0x14: {  	s2 =	sld [smem:$0x3F9C];
	s0 =	simm.s32 @p1 $0x1  }
0x15: {  	[smem:$0x3FB9] =	sst s0;
	s0 =	simm.s32 @!p2 $0x0  }
0x16: {  	s3 =	sld [smem:$0x3FDB];
	s0 =	simm.s32 @p2 $0x1  }
0x17: {  	s4 =	simm.s32 $0x1BF5;
	[smem:$0x3FBB] =	sst s0  }
0x18: {  	s0 =	sld [smem:$0x3F9E];
	_ =	swait.ge [sflag:s4], $0x0  }
0x19: {  	s7 =	sld [smem:$0x3F9F]  }
0x1a: {  	s8 =	sadd.s32 $0xFFFFE003, lr  }
0x1b: {  	s9 =	sadd.s32 $0xFFFFFEF7, lr;
	s5 =	simm.s32 $0xFFFFFFFF;
	p2 =	slt.u32 s8, $0xFFFFF086  }
0x1c: {  	p1 =	slt.u32 s9, $0xF7A;
	s5 =	simm.s32 @!p2 $0x0  }
0x1d: {  	s5 =	simm.s32 @p1 $0x1;
	p0 =	seq.s32 s7, s2  }
0x1e: {  	s7 =	smul.u32 @!p0 $0xF7A, s2;
	p2 =	seq.s32 @!p0 s5, $0x0  }
0x1f: {  	s9 =	smul.u32 $0xF7A, s1;
	s8 =	simm.s32 @!p0 $0x1BF5;
	p2 =	por !p2, p0  }
0x20: {  	[sflag:s8] =	ssyncset.s32 @!p0 $0xFFFFF086;
	s6 =	sadd.s32 @!p0 s3, s7;
	s7 =	simm.s32 @!p0 $0x108  }
0x21: {  	s3 =	sadd.s32 s3, s9;
	s6 =	sadd.s32 @!p0 $0x88, s6;
	s7 =	simm.s32 @p2 $0x1082  }
0x22: {  	[simem:s7], [sflag:s8] =	dma.local @!p0 [hbm:s6], $0xF7A  }
0x23: {  	s9 =	sor.u32 $0xD0000000, s2;
	s6 =	simm.s32 $0x108;
	_ =	swait.ge @!p0 [sflag:s8], $0x0  }
0x24: {  	s3 =	sadd.s32 $0x88, s3;
	s6 =	simm.s32 @!p1 $0x1082;
	[sflag:s4] =	ssyncset.s32 $0xFFFFF086  }
0x25: {  	[simem:s6], [sflag:s4] =	dma.local [hbm:s3], $0xF7A  }
0x26: {  	[smem:$0x3F9F] =	sst s1;
	(tag) =	ssettag s2;
	_ =	strace s9  }
0x27: {  	s1 =	sld [smem:$0x3FAF]  }
0x28: {  	s2 =	sld [smem:$0x3FB0]  }
0x29: {  	s4 =	sld [smem:$0x3FB2]  }
0x2a: {  	p0 =	seq.s32 s5, $0x0;
	s5 =	sld [smem:$0x3FB3]  }
0x2b: {  	s6 =	sld [smem:$0x3FB4]  }
0x2c: {  	s7 =	sld [smem:$0x3FB5]  }
0x2d: {  	s3 =	simm.s32 $0x108;
	s8 =	sld [smem:$0x3FB6]  }
0x2e: {  	s3 =	simm.s32 @!p0 $0x1082;
	s9 =	sld [smem:$0x3FB7]  }
0x2f: {  	lr =	sadd.s32 s0, s3;
	s0 =	sld [smem:$0x3FAE]  }
0x30: {  	s3 =	sld [smem:$0x3FB1]  }
0x31: {  	[smem:$0x3FBA] =	sst s10  }
0x32: {  	s10 =	sld [smem:$0x3FB8];
	_ =	sdelay $0x3  }
0x33: {  	p0 =	seq.s32 s10, $0x1;
	s10 =	sld [smem:$0x3FBA];
	_ =	sdelay $0x3  }
0x34: {  	[smem:$0x3FBA] =	sst s10  }
0x35: {  	s10 =	sld [smem:$0x3FB9];
	_ =	sdelay $0x3  }
0x36: {  	p1 =	seq.s32 s10, $0x1;
	s10 =	sld [smem:$0x3FBA];
	_ =	sdelay $0x3  }
0x37: {  	[smem:$0x3FBA] =	sst s10  }
0x38: {  	s10 =	sld [smem:$0x3FBB]  }
0x39: {  	_ = 	snop;
	(pc) =	sbr.ind lr, $3  }
0x3a: {  	_ = 	snop  }
0x3b: {  	_ = 	snop  }
0x3c: {  	p2 =	seq.s32 s10, $0x1;
	s10 =	sld [smem:$0x3FBA]  }
0x3d: {  	_ =	shalt  }
0x3e: {  	_ =	shalt  }
0x3f: {  	_ =	shalt  }
0x40: {  	_ =	shalt  }
0x41: {  	_ =	shalt  }
0x42: {  	_ =	shalt  }
0x43: {  	_ =	shalt  }
0x44: {  	_ =	shalt  }
0x45: {  	_ =	shalt  }
0x46: {  	_ =	shalt  }
0x47: {  	_ =	shalt  }
0x48: {  	_ =	shalt  }
0x49: {  	_ =	shalt  }
0x4a: {  	_ =	shalt  }
0x4b: {  	_ =	shalt  }
0x4c: {  	_ =	shalt  }
0x4d: {  	_ =	shalt  }
0x4e: {  	_ =	shalt  }
0x4f: {  	_ =	shalt  }
0x50: {  	_ =	shalt  }
0x51: {  	_ =	shalt  }
0x52: {  	_ =	shalt  }
0x53: {  	_ =	shalt  }
0x54: {  	_ =	shalt  }
0x55: {  	_ =	shalt  }
0x56: {  	_ =	shalt  }
0x57: {  	_ =	shalt  }
0x58: {  	_ =	shalt  }
0x59: {  	_ =	shalt  }
0x5a: {  	_ =	shalt  }
0x5b: {  	_ =	shalt  }
0x5c: {  	_ =	shalt  }
0x5d: {  	_ =	shalt  }
0x5e: {  	_ =	shalt  }
0x5f: {  	_ =	shalt  }
0x60: {  	_ =	shalt  }
0x61: {  	_ =	shalt  }
0x62: {  	_ =	shalt  }
0x63: {  	_ =	shalt  }
0x64: {  	_ =	shalt  }
0x65: {  	_ =	shalt  }
0x66: {  	_ =	shalt  }
0x67: {  	_ =	shalt  }
0x68: {  	_ =	shalt  }
0x69: {  	_ =	shalt  }
0x6a: {  	_ =	shalt  }
0x6b: {  	_ =	shalt  }
0x6c: {  	_ =	shalt  }
0x6d: {  	_ =	shalt  }
0x6e: {  	_ =	shalt  }
0x6f: {  	_ =	shalt  }
0x70: {  	_ =	shalt  }
0x71: {  	_ =	shalt  }
0x72: {  	_ =	shalt  }
0x73: {  	_ =	shalt  }
0x74: {  	_ =	shalt  }
0x75: {  	_ =	shalt  }
0x76: {  	_ =	shalt  }
0x77: {  	_ =	shalt  }
0x78: {  	_ =	shalt  }
0x79: {  	_ =	shalt  }
0x7a: {  	_ =	shalt  }
0x7b: {  	_ =	shalt  }
0x7c: {  	_ =	shalt  }
0x7d: {  	_ =	shalt  }
0x7e: {  	_ =	shalt  }
0x7f: {  	_ =	shalt  }
0x80: {  	_ =	shalt  }
0x81: {  	_ =	shalt  }
0x82: {  	_ =	shalt  }
0x83: {  	_ =	shalt  }
0x84: {  	_ =	shalt  }
0x85: {  	_ =	shalt  }
0x86: {  	_ =	shalt  }
0x87: {  	_ =	shalt  }
.Lfunc_end0:
.L_simem_size_0:
called_computation_lowered:
.L_overlay_start_0:
0x88: {  	s2 =	sld [smem:$0x3FD9]  }
0x89: {  	s3 =	sld [smem:$0x3FFE];
	_ =	sdelay $0x1  }
0x8a: {  	s1 =	srdreg.scid  }
0x8b: {  	s0 =	sand.u32 $0x1, s1  }
0x8c: {  	s18 =	sshll.u32 s0, $0xA;
	s2 =	sadd.s32 s3, s2  }
0x8d: {  	s2 =	sadd.s32 s2, s18  }
0x8e: {  	[smem:$0x3FC6] =	sst s2  }
0x8f: {  	_ = 	snop  }
0x90: {  	s2 =	sld [smem:$0x3FC9]  }
0x91: {  	s19 =	sld [smem:$0x3FC8]  }
0x92: {  	s4 =	sld [smem:$0x3FD0];
	(tm) =	ssettm $0x1  }
0x93: {  	s5 =	sld [smem:$0x3FFB];
	_ =	sdelay $0x3  }
0x94: {  	_ =	strace s5  }
0x95: {  	s5 =	sld [smem:$0x3FFC];
	_ =	sdelay $0x3  }
0x96: {  	_ =	strace s5  }
0x97: {  	s5 =	sld [smem:$0x3FFD];
	_ =	sdelay $0x3  }
0x98: {  	_ =	strace s5  }
0x99: {  	_ =	strace $0x8FFFFFFF  }
0x9a: {  	s20 =	sld [smem:$0x3FDB];
	_ =	sdelay $0x1  }
0x9b: {  	s6 =	simm.s32 $_scs_section_size  }
0x9c: {  	s7 =	simm.s32 $_size__tile_overlayer_lowered;
	s8 =	simm.s32 $_tile_overlayer_lowered  }
0x9d: {  	s23 =	simm.s32 $0x1BFF;
	s22 =	sshll.u32 s8, $0x1;
	s5 =	sadd.s32 s6, s20  }
0x9e: {  	s9 =	simm.s32 $0x0;
	s21 =	sshll.u32 s7, $0x1;
	s7 =	sadd.s32 s22, s5  }
0x9f: {  	[timem:s9], [sflag:s23] =	dma.local [hbm:s7], s21  }
0xa0: {  	_ =	swait.ge [sflag:s23], s21  }
0xa1: {  	s6 =	ssub.s32 $0x0, s21;
	[sflag:s23] =	ssyncset.done $0x0  }
0xa2: {  	[sflag:s23] =	ssyncadd.s32 s6;
	_ =	sdelay $0x1  }
0xa3: {  	s24 =	simm.s32 $0x1B8B  }
0xa4: {  	_ =	swait.ge [sflag:s24], $0x1  }
0xa5: {  	[sflag:s24] =	ssyncset.done $0x0  }
0xa6: {  	s25 =	simm.s32 $0x1B8E;
	[sflag:s24] =	ssyncadd.s32 $0xFFFFFFFF  }
0xa7: {  	s26 =	simm.s32 $execute0_lowered;
	[smem:$0x3FD2] =	sst s25  }
0xa8: {  	s6 =	sshll.u32 s26, $0x1;
	_ =	strace $0x80000046;
	[dreg:$0x1] =	wrdreg $0xFFFFFFFF  }
0xa9: {  	s28 =	simm.s32 $_size_execute0_lowered;
	s5 =	sadd.s32 s5, s6;
	[dreg:$0x0] =	wrdreg $0x0  }
0xaa: {  	s6 =	sshll.u32 s28, $0x1;
	[dreg:$0x2] =	wrdreg s5  }
0xab: {  	[dreg:$0x3] =	wrdreg s6  }
0xac: {  	[dreg:$0x4] =	wrdreg $0xC0  }
0xad: {  	_ =	task [dreg:s9], $0x5FFFF  }
0xae: {  	[dreg:$0x1] =	wrdreg $0xFFFFFFFF  }
0xaf: {  	[dreg:$0x0] =	wrdreg $0x60  }
0xb0: {  	[dreg:$0x2] =	wrdreg s2  }
0xb1: {  	[dreg:$0x3] =	wrdreg s19  }
0xb2: {  	[dreg:$0x4] =	wrdreg s4  }
0xb3: {  	[dreg:$0x5] =	wrdreg $0x9  }
0xb4: {  	_ =	task.clear_ibuf [dreg:s9], $0x6FFFF;
	_ =	strace $0x90000046  }
0xb5: {  	s29 =	simm.s32 $0x9;
	_ =	strace $0x80000048  }
0xb6: {  	_ =	swait.ge [sflag:s29], $0x1  }
0xb7: {  	[sflag:s29] =	ssyncadd.s32 $0xFFFFFFFF  }
0xb8: {  	_ =	strace $0x90000048  }
0xb9: {  	_ =	sfence  }
0xba: {  	s30 =	sld [smem:$0x0];
	_ =	sdelay $0x2  }
0xbb: {  	s31 =	sshll.u32 s1, $0xD;
	s1 =	sshrl.u32 s1, $0x2  }
0xbc: {  	s3 =	sand.u32 $0x4000, s31;
	s1 =	sadd.s32 s1, s30  }
0xbd: {  	s0 =	sor.u32 s3, s0;
	s1 =	sshll.u32 s1, $0x11  }
0xbe: {  	s0 =	sor.u32 s1, s0  }
0xbf: {  	s0 =	sadd.s32 $0x8F2B, s0  }
0xc0: {  	[sflag:s0] =	ssyncadd.remote.s32 $0x1  }
0xc1: {  	_ =	sfence.sel $0xFFFF  }
0xc2: {  	[dreg:$0x0] =	wrdreg $0xFFFFFFFF;
	(pc) =	sbr.abs _section_cstart, $3  }
0xc3: {  	[dreg:$0x1] =	wrdreg $0xFFFFFFFF  }
0xc4: {  	_ =	task.clear_ibuf [dreg:s9], $0x2FFFF;
	_ =	strace $0x9FFFFFFF  }
0xc5: {  	(tm) =	ssettm $0x7FFFFFFF  }
tec
execute0_lowered:
.L_overlay_start_1:
0x0: {  	(tag) =	ssettag $0x1  }
0x1: {  	s1 =	rddreg [dreg:$0x0]  }
0x2: {  	s0 =	rddreg [dreg:$0x1]  }
0x3: {  	s2 =	rddreg [dreg:$0x2];
	s3 =	simm.s32 $0x0;
	s4 =	srdreg.scid  }
0x4: {  	s7 =	stileid.u32;
	s19 =	simm.s32 $0x400;
	s20 =	simm.s32 $0xC380  }
0x5: {  	s21 =	simm.s32 $0x18700;
	s22 =	simm.s32 $0x1A700;
	s23 =	simm.s32 $0x3  }
0x6: {  	s24 =	simm.s32 $0x1;
	s25 =	simm.s32 $0x2;
	s28 =	simm.s32 $0x1D700  }
0x7: {  	s29 =	simm.s32 $0x4;
	s30 =	simm.s32 $0x0;
	[smem:$0x7FF] =	sst s3  }
0x8: {  	s4 =	sand.u32 $0x1, s4;
	s6 =	sshll.u32 s7, $0x9;
	s7 =	sshrl.u32 s7, $0x1  }
0x9: {  	s14 =	sadd.s32 $0x1000, s2;
	s16 =	sadd.s32 $0x2000, s2;
	s31 =	sadd.s32 $0x3000, s2  }
0xa: {  	s5 =	ssub.s32 $0x2, s4;
	s4 =	sshll.u32 s4, $0x8;
	s6 =	sand.u32 $0x200, s6  }
0xb: {  	s9 =	smul.u32 $0xC3800, s7;
	_ =	strace $0x80000047;
	s12 =	sshll.u32 s7, $0x11  }
0xc: {  	s8 =	sshrl.u32 s5, $0x1;
	s10 =	sor.u32 s4, s6;
	s6 =	sadd.s32 $0x400, s1  }
0xd: {  	s17 =	ssub.s32 s5, s8;
	s4 =	sor.u32 s9, s10;
	s11 =	sadd.s32 $0x61C00, s9  }
0xe: {  	s7 =	sor.u32 s12, s10;
	s15 =	sor.u32 $0x80, s10;
	s4 =	sshrl.u32 s4, $0x3  }
0xf: {  	s26 =	sor.u32 s10, s11;
	s13 =	sshrl.u32 s7, $0x3;
	s10 =	sor.u32 s9, s15  }
0x10: {  	s11 =	sor.u32 s11, s15;
	s12 =	sor.u32 s12, s15;
	s17 =	smax.u32 s17, $0x1  }
0x11: {  	s4 =	sadd.s32 s0, s4;
	s5 =	sshrl.u32 s26, $0x3;
	s7 =	sadd.s32 s2, s13  }
0x12: {  	s8 =	sadd.s32 s13, s14;
	s9 =	sadd.s32 s13, s16;
	s10 =	sshrl.u32 s10, $0x3  }
0x13: {  	s11 =	sshrl.u32 s11, $0x3;
	s18 =	sshrl.u32 s12, $0x3;
	s12 =	sadd.s32 s13, s31  }
0x14: {  	s26 =	simm.s32 $0x1C700;
	s5 =	sadd.s32 s0, s5;
	s10 =	sadd.s32 s0, s10  }
0x15: {  	s11 =	sadd.s32 s0, s11;
	s13 =	sadd.s32 s2, s18;
	s14 =	sadd.s32 s18, s14  }
0x16: {  	s15 =	sadd.s32 s18, s16;
	s16 =	sadd.s32 s18, s31;
	s18 =	simm.s32 $0x80  }
.LBB2_1:
0x17: {  	[tilespmem:s3], [sflag:$0x1] =	stream.strided.gather [hbm4b:s4+s18], $0xC380, s19, s18, $0x38;
	[tilespmem:$0x1E700] =	vst v63  }
0x18: {  	_ = 	snop  }
0x19: {  	[tilespmem:s20], [sflag:$0x2] =	stream.strided.gather [hbm4b:s5+s18], $0xC380, s19, s18, $0x38;
	[tilespmem:$0x1E700] =	vst v63  }
0x1a: {  	_ = 	snop  }
0x1b: {  	[tilespmem:s21], [sflag:$0x3] =	stream.linear.gather [hbm4b:s1+s3], $0x2000, $0x38;
	[tilespmem:$0x1E700] =	vst v63  }
0x1c: {  	_ = 	snop  }
0x1d: {  	[tilespmem:s22], [sflag:$0x3] =	stream.linear.gather [hbm4b:s6+s3], $0x2000, $0x38;
	[tilespmem:$0x1E700] =	vst v63  }
0x1e: {  	_ =	swait.ge [sflag:s23], $0x2000  }
0x1f: {  	[sflag:s23] =	ssyncset.done $0x0  }
0x20: {  	[sflag:s23] =	ssyncadd.s32 $0xFFFFE000  }
0x21: {  	_ =	swait.ge [sflag:s23], $0x2000  }
0x22: {  	[sflag:s23] =	ssyncset.done $0x0  }
0x23: {  	[sflag:s23] =	ssyncadd.s32 $0xFFFFE000  }
0x24: {  	_ =	swait.ge [sflag:s24], $0xC380  }
0x25: {  	[sflag:s24] =	ssyncset.done $0x0  }
0x26: {  	[sflag:s24] =	ssyncadd.s32 $0xFFFF3C80  }
0x27: {  	_ =	swait.ge [sflag:s25], $0xC380  }
0x28: {  	[sflag:s25] =	ssyncset.done $0x0  }
0x29: {  	s31 =	simm.s32 $0x0;
	[sflag:s25] =	ssyncadd.s32 $0xFFFF3C80  }
0x2a: {  	v0 =	vld [tilespmem:s31+$0x18700]  }
0x2b: {  	v1 =	vld [tilespmem:s31+$0x18770]  }
0x2c: {  	v2 =	vld [tilespmem:s31+$0x18710]  }
0x2d: {  	v3 =	vld [tilespmem:s31+$0x18720]  }
0x2e: {  	v4 =	vld [tilespmem:s31+$0x18730]  }
0x2f: {  	v7 =	vld [tilespmem:s31+$0x18740]  }
0x30: {  	v8 =	vld [tilespmem:s31+$0x18750]  }
0x31: {  	v9 =	vld [tilespmem:s31+$0x18760]  }
0x32: {  	v10 =	vld.idx.msk [tilespmem:v0+s3+$0x0], $0xffff  }
0x33: {  	v0 =	vld.idx.msk [tilespmem:v1+s3+$0x0], $0xffff  }
0x34: {  	v6 =	vld.idx.msk [tilespmem:v2+s3+$0x0], $0xffff  }
0x35: {  	v5 =	vld.idx.msk [tilespmem:v3+s3+$0x0], $0xffff  }
0x36: {  	v4 =	vld.idx.msk [tilespmem:v4+s3+$0x0], $0xffff  }
0x37: {  	v3 =	vld.idx.msk [tilespmem:v7+s3+$0x0], $0xffff  }
0x38: {  	v2 =	vld.idx.msk [tilespmem:v8+s3+$0x0], $0xffff  }
0x39: {  	s0 =	simm.s32 $0x80;
	v1 =	vld.idx.msk [tilespmem:v9+s3+$0x0], $0xffff;
	[tilespmem:s31+$0x1C770] =	vst v0  }
0x3a: {  	s2 =	simm.s32 $0x400;
	v0 =	vld [tilespmem:s0+$0x18700];
	[tilespmem:s31+$0x1C700] =	vst v10  }
.LBB2_2:
0x3b: {  	p0 =	sne.s32 s2, $0x3E00;
	v7 =	vld [tilespmem:s0+$0x18770];
	[tilespmem:s31+$0x1C710] =	vst v6  }
0x3c: {  	v6 =	vld [tilespmem:s0+$0x18710];
	[tilespmem:s31+$0x1C720] =	vst v5  }
0x3d: {  	v5 =	vld [tilespmem:s0+$0x18720];
	[tilespmem:s31+$0x1C730] =	vst v4  }
0x3e: {  	v4 =	vld [tilespmem:s0+$0x18730];
	[tilespmem:s31+$0x1C740] =	vst v3  }
0x3f: {  	v3 =	vld [tilespmem:s0+$0x18740];
	[tilespmem:s31+$0x1C750] =	vst v2  }
0x40: {  	v2 =	vld [tilespmem:s0+$0x18750];
	[tilespmem:s31+$0x1C760] =	vst v1;
	s31 =	smov.u32 s0  }
0x41: {  	v1 =	vld [tilespmem:s31+$0x18760]  }
0x42: {  	v8 =	vld.idx.msk [tilespmem:v0+s3+$0x0], $0xffff  }
0x43: {  	v0 =	vld.idx.msk [tilespmem:v7+s3+$0x0], $0xffff  }
0x44: {  	v6 =	vld.idx.msk [tilespmem:v6+s3+$0x0], $0xffff  }
0x45: {  	v5 =	vld.idx.msk [tilespmem:v5+s3+$0x0], $0xffff  }
.Ltmp0:
0x46: {  	v4 =	vld.idx.msk [tilespmem:v4+s3+$0x0], $0xffff;
	(pc) =	sbr.rel @p0 .LBB2_2-.Ltmp0, $4  }
0x47: {  	v3 =	vld.idx.msk [tilespmem:v3+s3+$0x0], $0xffff  }
0x48: {  	v2 =	vld.idx.msk [tilespmem:v2+s3+$0x0], $0xffff  }
0x49: {  	s0 =	sshra.s32 s2, $0x2;
	v1 =	vld.idx.msk [tilespmem:v1+s3+$0x0], $0xffff;
	[tilespmem:s31+$0x1C770] =	vst v0  }
0x4a: {  	s2 =	sadd.s32 $0x200, s2;
	v0 =	vld [tilespmem:s0+$0x18700];
	[tilespmem:s31+$0x1C700] =	vst v8  }
0x4b: {  	_ = 	snop  }
0x4c: {  	v7 =	vld [tilespmem:s0+$0x18770];
	[tilespmem:s31+$0x1C710] =	vst v6  }
0x4d: {  	v6 =	vld [tilespmem:s0+$0x18710];
	[tilespmem:s31+$0x1C720] =	vst v5  }
0x4e: {  	v5 =	vld [tilespmem:s0+$0x18720];
	[tilespmem:s31+$0x1C730] =	vst v4  }
0x4f: {  	v4 =	vld [tilespmem:s0+$0x18730];
	[tilespmem:s31+$0x1C740] =	vst v3  }
0x50: {  	v3 =	vld [tilespmem:s0+$0x18740];
	[tilespmem:s31+$0x1C750] =	vst v2  }
0x51: {  	v2 =	vld [tilespmem:s0+$0x18750];
	[tilespmem:s31+$0x1C760] =	vst v1  }
0x52: {  	v1 =	vld [tilespmem:s0+$0x18760]  }
0x53: {  	v0 =	vld.idx.msk [tilespmem:v0+s3+$0x0], $0xffff  }
0x54: {  	v7 =	vld.idx.msk [tilespmem:v7+s3+$0x0], $0xffff  }
0x55: {  	v6 =	vld.idx.msk [tilespmem:v6+s3+$0x0], $0xffff  }
0x56: {  	v5 =	vld.idx.msk [tilespmem:v5+s3+$0x0], $0xffff  }
0x57: {  	v4 =	vld.idx.msk [tilespmem:v4+s3+$0x0], $0xffff  }
0x58: {  	v3 =	vld.idx.msk [tilespmem:v3+s3+$0x0], $0xffff  }
0x59: {  	v2 =	vld.idx.msk [tilespmem:v2+s3+$0x0], $0xffff  }
0x5a: {  	v1 =	vld.idx.msk [tilespmem:v1+s3+$0x0], $0xffff;
	[tilespmem:s0+$0x1C770] =	vst v7  }
0x5b: {  	[tilespmem:s0+$0x1C700] =	vst v0  }
0x5c: {  	[tilespmem:s0+$0x1C710] =	vst v6  }
0x5d: {  	[tilespmem:s0+$0x1C720] =	vst v5  }
0x5e: {  	[tilespmem:s0+$0x1C730] =	vst v4  }
0x5f: {  	[tilespmem:s0+$0x1C740] =	vst v3  }
0x60: {  	[tilespmem:s0+$0x1C750] =	vst v2  }
0x61: {  	s31 =	simm.s32 $0x40;
	[tilespmem:s0+$0x1C760] =	vst v1  }
0x62: {  	[hbm4b:s7+s18] =	stream.strided.scatter [tilespmem:s26], [sflag:$0x4], $0x1000, s19, s18, $0x38;
	[tilespmem:$0x1E700] =	vst v63  }
0x63: {  	v0 =	vld [tilespmem:s31+$0x196C0]  }
0x64: {  	v1 =	vld [tilespmem:s31+$0x19730]  }
0x65: {  	v2 =	vld [tilespmem:s31+$0x196D0]  }
0x66: {  	v3 =	vld [tilespmem:s31+$0x196E0]  }
0x67: {  	v4 =	vld [tilespmem:s31+$0x196F0]  }
0x68: {  	v7 =	vld [tilespmem:s31+$0x19700]  }
0x69: {  	v8 =	vld [tilespmem:s31+$0x19710]  }
0x6a: {  	v9 =	vld [tilespmem:s31+$0x19720]  }
0x6b: {  	v10 =	vld.idx.msk [tilespmem:v0+s3+$0x0], $0xffff  }
0x6c: {  	v0 =	vld.idx.msk [tilespmem:v1+s3+$0x0], $0xffff  }
0x6d: {  	v6 =	vld.idx.msk [tilespmem:v2+s3+$0x0], $0xffff  }
0x6e: {  	v5 =	vld.idx.msk [tilespmem:v3+s3+$0x0], $0xffff  }
0x6f: {  	v4 =	vld.idx.msk [tilespmem:v4+s3+$0x0], $0xffff  }
0x70: {  	v3 =	vld.idx.msk [tilespmem:v7+s3+$0x0], $0xffff  }
0x71: {  	v2 =	vld.idx.msk [tilespmem:v8+s3+$0x0], $0xffff  }
0x72: {  	s0 =	simm.s32 $0xC0;
	v1 =	vld.idx.msk [tilespmem:v9+s3+$0x0], $0xffff;
	[tilespmem:s31+$0x1D730] =	vst v0  }
0x73: {  	s2 =	simm.s32 $0x500;
	v0 =	vld [tilespmem:s0+$0x196C0];
	[tilespmem:s31+$0x1D6C0] =	vst v10  }
.LBB2_4:
0x74: {  	p0 =	sne.s32 s2, $0x3F00;
	v7 =	vld [tilespmem:s0+$0x19730];
	[tilespmem:s31+$0x1D6D0] =	vst v6  }
0x75: {  	v6 =	vld [tilespmem:s0+$0x196D0];
	[tilespmem:s31+$0x1D6E0] =	vst v5  }
0x76: {  	v5 =	vld [tilespmem:s0+$0x196E0];
	[tilespmem:s31+$0x1D6F0] =	vst v4  }
0x77: {  	v4 =	vld [tilespmem:s0+$0x196F0];
	[tilespmem:s31+$0x1D700] =	vst v3  }
0x78: {  	v3 =	vld [tilespmem:s0+$0x19700];
	[tilespmem:s31+$0x1D710] =	vst v2  }
0x79: {  	v2 =	vld [tilespmem:s0+$0x19710];
	[tilespmem:s31+$0x1D720] =	vst v1;
	s31 =	smov.u32 s0  }
0x7a: {  	v1 =	vld [tilespmem:s31+$0x19720]  }
0x7b: {  	v8 =	vld.idx.msk [tilespmem:v0+s3+$0x0], $0xffff  }
0x7c: {  	v0 =	vld.idx.msk [tilespmem:v7+s3+$0x0], $0xffff  }
0x7d: {  	v6 =	vld.idx.msk [tilespmem:v6+s3+$0x0], $0xffff  }
0x7e: {  	v5 =	vld.idx.msk [tilespmem:v5+s3+$0x0], $0xffff  }
.Ltmp1:
0x7f: {  	v4 =	vld.idx.msk [tilespmem:v4+s3+$0x0], $0xffff;
	(pc) =	sbr.rel @p0 .LBB2_4-.Ltmp1, $4  }
0x80: {  	v3 =	vld.idx.msk [tilespmem:v3+s3+$0x0], $0xffff  }
0x81: {  	v2 =	vld.idx.msk [tilespmem:v2+s3+$0x0], $0xffff  }
0x82: {  	s0 =	sshra.s32 s2, $0x2;
	v1 =	vld.idx.msk [tilespmem:v1+s3+$0x0], $0xffff;
	[tilespmem:s31+$0x1D730] =	vst v0  }
0x83: {  	s2 =	sadd.s32 $0x200, s2;
	v0 =	vld [tilespmem:s0+$0x196C0];
	[tilespmem:s31+$0x1D6C0] =	vst v8  }
0x84: {  	_ = 	snop  }
0x85: {  	v7 =	vld [tilespmem:s0+$0x19730];
	[tilespmem:s31+$0x1D6D0] =	vst v6  }
0x86: {  	v6 =	vld [tilespmem:s0+$0x196D0];
	[tilespmem:s31+$0x1D6E0] =	vst v5  }
0x87: {  	v5 =	vld [tilespmem:s0+$0x196E0];
	[tilespmem:s31+$0x1D6F0] =	vst v4  }
0x88: {  	v4 =	vld [tilespmem:s0+$0x196F0];
	[tilespmem:s31+$0x1D700] =	vst v3  }
0x89: {  	v3 =	vld [tilespmem:s0+$0x19700];
	[tilespmem:s31+$0x1D710] =	vst v2  }
0x8a: {  	v2 =	vld [tilespmem:s0+$0x19710];
	[tilespmem:s31+$0x1D720] =	vst v1  }
0x8b: {  	v1 =	vld [tilespmem:s0+$0x19720]  }
0x8c: {  	v0 =	vld.idx.msk [tilespmem:v0+s3+$0x0], $0xffff  }
0x8d: {  	v7 =	vld.idx.msk [tilespmem:v7+s3+$0x0], $0xffff  }
0x8e: {  	v6 =	vld.idx.msk [tilespmem:v6+s3+$0x0], $0xffff  }
0x8f: {  	v5 =	vld.idx.msk [tilespmem:v5+s3+$0x0], $0xffff  }
0x90: {  	v4 =	vld.idx.msk [tilespmem:v4+s3+$0x0], $0xffff  }
0x91: {  	v3 =	vld.idx.msk [tilespmem:v3+s3+$0x0], $0xffff  }
0x92: {  	v2 =	vld.idx.msk [tilespmem:v2+s3+$0x0], $0xffff  }
0x93: {  	v1 =	vld.idx.msk [tilespmem:v1+s3+$0x0], $0xffff;
	[tilespmem:s0+$0x1D730] =	vst v7  }
0x94: {  	[tilespmem:s0+$0x1D6C0] =	vst v0  }
0x95: {  	[tilespmem:s0+$0x1D6D0] =	vst v6  }
0x96: {  	[tilespmem:s0+$0x1D6E0] =	vst v5  }
0x97: {  	[tilespmem:s0+$0x1D6F0] =	vst v4  }
0x98: {  	[tilespmem:s0+$0x1D700] =	vst v3  }
0x99: {  	[tilespmem:s0+$0x1D710] =	vst v2  }
0x9a: {  	[tilespmem:s0+$0x1D720] =	vst v1  }
0x9b: {  	[hbm4b:s8+s18] =	stream.strided.scatter [tilespmem:s28], [sflag:$0x4], $0x1000, s19, s18, $0x38;
	[tilespmem:$0x1E700] =	vst v63  }
0x9c: {  	_ =	swait.ge [sflag:s29], $0x1000  }
0x9d: {  	[sflag:s29] =	ssyncset.done $0x0  }
0x9e: {  	s31 =	simm.s32 $0x0;
	[sflag:s29] =	ssyncadd.s32 $0xFFFFF000  }
0x9f: {  	v0 =	vld [tilespmem:s31+$0x1A700]  }
0xa0: {  	v1 =	vld [tilespmem:s31+$0x1A770]  }
0xa1: {  	v2 =	vld [tilespmem:s31+$0x1A710]  }
0xa2: {  	v3 =	vld [tilespmem:s31+$0x1A720]  }
0xa3: {  	v4 =	vld [tilespmem:s31+$0x1A730]  }
0xa4: {  	v7 =	vld [tilespmem:s31+$0x1A740]  }
0xa5: {  	v8 =	vld [tilespmem:s31+$0x1A750]  }
0xa6: {  	v9 =	vld [tilespmem:s31+$0x1A760]  }
0xa7: {  	v10 =	vld.idx.msk [tilespmem:v0+s3+$0x0], $0xffff  }
0xa8: {  	v0 =	vld.idx.msk [tilespmem:v1+s3+$0x0], $0xffff  }
0xa9: {  	v6 =	vld.idx.msk [tilespmem:v2+s3+$0x0], $0xffff  }
0xaa: {  	v5 =	vld.idx.msk [tilespmem:v3+s3+$0x0], $0xffff  }
0xab: {  	v4 =	vld.idx.msk [tilespmem:v4+s3+$0x0], $0xffff  }
0xac: {  	v3 =	vld.idx.msk [tilespmem:v7+s3+$0x0], $0xffff  }
0xad: {  	v2 =	vld.idx.msk [tilespmem:v8+s3+$0x0], $0xffff  }
0xae: {  	s0 =	simm.s32 $0x80;
	v1 =	vld.idx.msk [tilespmem:v9+s3+$0x0], $0xffff;
	[tilespmem:s31+$0x1C770] =	vst v0  }
0xaf: {  	s2 =	simm.s32 $0x400;
	v0 =	vld [tilespmem:s0+$0x1A700];
	[tilespmem:s31+$0x1C700] =	vst v10  }
.LBB2_6:
0xb0: {  	p0 =	sne.s32 s2, $0x3E00;
	v7 =	vld [tilespmem:s0+$0x1A770];
	[tilespmem:s31+$0x1C710] =	vst v6  }
0xb1: {  	v6 =	vld [tilespmem:s0+$0x1A710];
	[tilespmem:s31+$0x1C720] =	vst v5  }
0xb2: {  	v5 =	vld [tilespmem:s0+$0x1A720];
	[tilespmem:s31+$0x1C730] =	vst v4  }
0xb3: {  	v4 =	vld [tilespmem:s0+$0x1A730];
	[tilespmem:s31+$0x1C740] =	vst v3  }
0xb4: {  	v3 =	vld [tilespmem:s0+$0x1A740];
	[tilespmem:s31+$0x1C750] =	vst v2  }
0xb5: {  	v2 =	vld [tilespmem:s0+$0x1A750];
	[tilespmem:s31+$0x1C760] =	vst v1;
	s31 =	smov.u32 s0  }
0xb6: {  	v1 =	vld [tilespmem:s31+$0x1A760]  }
0xb7: {  	v8 =	vld.idx.msk [tilespmem:v0+s3+$0x0], $0xffff  }
0xb8: {  	v0 =	vld.idx.msk [tilespmem:v7+s3+$0x0], $0xffff  }
0xb9: {  	v6 =	vld.idx.msk [tilespmem:v6+s3+$0x0], $0xffff  }
0xba: {  	v5 =	vld.idx.msk [tilespmem:v5+s3+$0x0], $0xffff  }
.Ltmp2:
0xbb: {  	v4 =	vld.idx.msk [tilespmem:v4+s3+$0x0], $0xffff;
	(pc) =	sbr.rel @p0 .LBB2_6-.Ltmp2, $4  }
0xbc: {  	v3 =	vld.idx.msk [tilespmem:v3+s3+$0x0], $0xffff  }
0xbd: {  	v2 =	vld.idx.msk [tilespmem:v2+s3+$0x0], $0xffff  }
0xbe: {  	s0 =	sshra.s32 s2, $0x2;
	v1 =	vld.idx.msk [tilespmem:v1+s3+$0x0], $0xffff;
	[tilespmem:s31+$0x1C770] =	vst v0  }
0xbf: {  	s2 =	sadd.s32 $0x200, s2;
	v0 =	vld [tilespmem:s0+$0x1A700];
	[tilespmem:s31+$0x1C700] =	vst v8  }
0xc0: {  	_ = 	snop  }
0xc1: {  	v7 =	vld [tilespmem:s0+$0x1A770];
	[tilespmem:s31+$0x1C710] =	vst v6  }
0xc2: {  	v6 =	vld [tilespmem:s0+$0x1A710];
	[tilespmem:s31+$0x1C720] =	vst v5  }
0xc3: {  	v5 =	vld [tilespmem:s0+$0x1A720];
	[tilespmem:s31+$0x1C730] =	vst v4  }
0xc4: {  	v4 =	vld [tilespmem:s0+$0x1A730];
	[tilespmem:s31+$0x1C740] =	vst v3  }
0xc5: {  	v3 =	vld [tilespmem:s0+$0x1A740];
	[tilespmem:s31+$0x1C750] =	vst v2  }
0xc6: {  	v2 =	vld [tilespmem:s0+$0x1A750];
	[tilespmem:s31+$0x1C760] =	vst v1  }
0xc7: {  	v1 =	vld [tilespmem:s0+$0x1A760]  }
0xc8: {  	v0 =	vld.idx.msk [tilespmem:v0+s3+$0x0], $0xffff  }
0xc9: {  	v7 =	vld.idx.msk [tilespmem:v7+s3+$0x0], $0xffff  }
0xca: {  	v6 =	vld.idx.msk [tilespmem:v6+s3+$0x0], $0xffff  }
0xcb: {  	v5 =	vld.idx.msk [tilespmem:v5+s3+$0x0], $0xffff  }
0xcc: {  	v4 =	vld.idx.msk [tilespmem:v4+s3+$0x0], $0xffff  }
0xcd: {  	v3 =	vld.idx.msk [tilespmem:v3+s3+$0x0], $0xffff  }
0xce: {  	v2 =	vld.idx.msk [tilespmem:v2+s3+$0x0], $0xffff  }
0xcf: {  	v1 =	vld.idx.msk [tilespmem:v1+s3+$0x0], $0xffff;
	[tilespmem:s0+$0x1C770] =	vst v7  }
0xd0: {  	[tilespmem:s0+$0x1C700] =	vst v0  }
0xd1: {  	[tilespmem:s0+$0x1C710] =	vst v6  }
0xd2: {  	[tilespmem:s0+$0x1C720] =	vst v5  }
0xd3: {  	[tilespmem:s0+$0x1C730] =	vst v4  }
0xd4: {  	[tilespmem:s0+$0x1C740] =	vst v3  }
0xd5: {  	[tilespmem:s0+$0x1C750] =	vst v2  }
0xd6: {  	[tilespmem:s0+$0x1C760] =	vst v1  }
0xd7: {  	[hbm4b:s9+s18] =	stream.strided.scatter [tilespmem:s26], [sflag:$0x4], $0x1000, s19, s18, $0x38;
	[tilespmem:$0x1E700] =	vst v63  }
0xd8: {  	_ =	swait.ge [sflag:s29], $0x1000  }
0xd9: {  	[sflag:s29] =	ssyncset.done $0x0  }
0xda: {  	s31 =	simm.s32 $0x40;
	[sflag:s29] =	ssyncadd.s32 $0xFFFFF000  }
0xdb: {  	v0 =	vld [tilespmem:s31+$0x1B6C0]  }
0xdc: {  	v1 =	vld [tilespmem:s31+$0x1B730]  }
0xdd: {  	v2 =	vld [tilespmem:s31+$0x1B6D0]  }
0xde: {  	v3 =	vld [tilespmem:s31+$0x1B6E0]  }
0xdf: {  	v4 =	vld [tilespmem:s31+$0x1B6F0]  }
0xe0: {  	v7 =	vld [tilespmem:s31+$0x1B700]  }
0xe1: {  	v8 =	vld [tilespmem:s31+$0x1B710]  }
0xe2: {  	v9 =	vld [tilespmem:s31+$0x1B720]  }
0xe3: {  	v10 =	vld.idx.msk [tilespmem:v0+s3+$0x0], $0xffff  }
0xe4: {  	v0 =	vld.idx.msk [tilespmem:v1+s3+$0x0], $0xffff  }
0xe5: {  	v6 =	vld.idx.msk [tilespmem:v2+s3+$0x0], $0xffff  }
0xe6: {  	v5 =	vld.idx.msk [tilespmem:v3+s3+$0x0], $0xffff  }
0xe7: {  	v4 =	vld.idx.msk [tilespmem:v4+s3+$0x0], $0xffff  }
0xe8: {  	v3 =	vld.idx.msk [tilespmem:v7+s3+$0x0], $0xffff  }
0xe9: {  	v2 =	vld.idx.msk [tilespmem:v8+s3+$0x0], $0xffff  }
0xea: {  	s0 =	simm.s32 $0xC0;
	v1 =	vld.idx.msk [tilespmem:v9+s3+$0x0], $0xffff;
	[tilespmem:s31+$0x1D730] =	vst v0  }
0xeb: {  	s2 =	simm.s32 $0x500;
	v0 =	vld [tilespmem:s0+$0x1B6C0];
	[tilespmem:s31+$0x1D6C0] =	vst v10  }
.LBB2_8:
0xec: {  	p0 =	sne.s32 s2, $0x3F00;
	v7 =	vld [tilespmem:s0+$0x1B730];
	[tilespmem:s31+$0x1D6D0] =	vst v6  }
0xed: {  	v6 =	vld [tilespmem:s0+$0x1B6D0];
	[tilespmem:s31+$0x1D6E0] =	vst v5  }
0xee: {  	v5 =	vld [tilespmem:s0+$0x1B6E0];
	[tilespmem:s31+$0x1D6F0] =	vst v4  }
0xef: {  	v4 =	vld [tilespmem:s0+$0x1B6F0];
	[tilespmem:s31+$0x1D700] =	vst v3  }
0xf0: {  	v3 =	vld [tilespmem:s0+$0x1B700];
	[tilespmem:s31+$0x1D710] =	vst v2  }
0xf1: {  	v2 =	vld [tilespmem:s0+$0x1B710];
	[tilespmem:s31+$0x1D720] =	vst v1;
	s31 =	smov.u32 s0  }
0xf2: {  	v1 =	vld [tilespmem:s31+$0x1B720]  }
0xf3: {  	v8 =	vld.idx.msk [tilespmem:v0+s3+$0x0], $0xffff  }
0xf4: {  	v0 =	vld.idx.msk [tilespmem:v7+s3+$0x0], $0xffff  }
0xf5: {  	v6 =	vld.idx.msk [tilespmem:v6+s3+$0x0], $0xffff  }
0xf6: {  	v5 =	vld.idx.msk [tilespmem:v5+s3+$0x0], $0xffff  }
.Ltmp3:
0xf7: {  	v4 =	vld.idx.msk [tilespmem:v4+s3+$0x0], $0xffff;
	(pc) =	sbr.rel @p0 .LBB2_8-.Ltmp3, $4  }
0xf8: {  	v3 =	vld.idx.msk [tilespmem:v3+s3+$0x0], $0xffff  }
0xf9: {  	v2 =	vld.idx.msk [tilespmem:v2+s3+$0x0], $0xffff  }
0xfa: {  	s0 =	sshra.s32 s2, $0x2;
	v1 =	vld.idx.msk [tilespmem:v1+s3+$0x0], $0xffff;
	[tilespmem:s31+$0x1D730] =	vst v0  }
0xfb: {  	s2 =	sadd.s32 $0x200, s2;
	v0 =	vld [tilespmem:s0+$0x1B6C0];
	[tilespmem:s31+$0x1D6C0] =	vst v8  }
0xfc: {  	_ = 	snop  }
0xfd: {  	v7 =	vld [tilespmem:s0+$0x1B730];
	[tilespmem:s31+$0x1D6D0] =	vst v6  }
0xfe: {  	v6 =	vld [tilespmem:s0+$0x1B6D0];
	[tilespmem:s31+$0x1D6E0] =	vst v5  }
0xff: {  	v5 =	vld [tilespmem:s0+$0x1B6E0];
	[tilespmem:s31+$0x1D6F0] =	vst v4  }
0x100: {  	v4 =	vld [tilespmem:s0+$0x1B6F0];
	[tilespmem:s31+$0x1D700] =	vst v3  }
0x101: {  	v3 =	vld [tilespmem:s0+$0x1B700];
	[tilespmem:s31+$0x1D710] =	vst v2  }
0x102: {  	v2 =	vld [tilespmem:s0+$0x1B710];
	[tilespmem:s31+$0x1D720] =	vst v1  }
0x103: {  	v1 =	vld [tilespmem:s0+$0x1B720]  }
0x104: {  	v0 =	vld.idx.msk [tilespmem:v0+s3+$0x0], $0xffff  }
0x105: {  	v7 =	vld.idx.msk [tilespmem:v7+s3+$0x0], $0xffff  }
0x106: {  	v6 =	vld.idx.msk [tilespmem:v6+s3+$0x0], $0xffff  }
0x107: {  	v5 =	vld.idx.msk [tilespmem:v5+s3+$0x0], $0xffff  }
0x108: {  	v4 =	vld.idx.msk [tilespmem:v4+s3+$0x0], $0xffff  }
0x109: {  	v3 =	vld.idx.msk [tilespmem:v3+s3+$0x0], $0xffff  }
0x10a: {  	v2 =	vld.idx.msk [tilespmem:v2+s3+$0x0], $0xffff  }
0x10b: {  	v1 =	vld.idx.msk [tilespmem:v1+s3+$0x0], $0xffff;
	[tilespmem:s0+$0x1D730] =	vst v7  }
0x10c: {  	[tilespmem:s0+$0x1D6C0] =	vst v0  }
0x10d: {  	[tilespmem:s0+$0x1D6D0] =	vst v6  }
0x10e: {  	[tilespmem:s0+$0x1D6E0] =	vst v5  }
0x10f: {  	[tilespmem:s0+$0x1D6F0] =	vst v4  }
0x110: {  	[tilespmem:s0+$0x1D700] =	vst v3  }
0x111: {  	[tilespmem:s0+$0x1D710] =	vst v2  }
0x112: {  	s2 =	simm.s32 $0x0;
	[tilespmem:s0+$0x1D720] =	vst v1  }
0x113: {  	[tilespmem:s2], [sflag:$0x1] =	stream.strided.gather [hbm4b:s10+s18], $0xC380, s19, s18, $0x38;
	[tilespmem:$0x1E700] =	vst v63  }
0x114: {  	_ = 	snop  }
0x115: {  	[tilespmem:s20], [sflag:$0x2] =	stream.strided.gather [hbm4b:s11+s18], $0xC380, s19, s18, $0x38;
	[tilespmem:$0x1E700] =	vst v63  }
0x116: {  	_ = 	snop  }
0x117: {  	[hbm4b:s12+s18] =	stream.strided.scatter [tilespmem:s28], [sflag:$0x4], $0x1000, s19, s18, $0x38;
	[tilespmem:$0x1E700] =	vst v63  }
0x118: {  	_ =	swait.ge [sflag:s24], $0xC380  }
0x119: {  	[sflag:s24] =	ssyncset.done $0x0  }
0x11a: {  	[sflag:s24] =	ssyncadd.s32 $0xFFFF3C80  }
0x11b: {  	_ =	swait.ge [sflag:s25], $0xC380  }
0x11c: {  	[sflag:s25] =	ssyncset.done $0x0  }
0x11d: {  	[sflag:s25] =	ssyncadd.s32 $0xFFFF3C80  }
0x11e: {  	_ =	swait.ge [sflag:s29], $0x1000  }
0x11f: {  	[sflag:s29] =	ssyncset.done $0x0  }
0x120: {  	s31 =	simm.s32 $0x0;
	[sflag:s29] =	ssyncadd.s32 $0xFFFFF000  }
0x121: {  	v0 =	vld [tilespmem:s31+$0x18700]  }
0x122: {  	v1 =	vld [tilespmem:s31+$0x18770]  }
0x123: {  	v2 =	vld [tilespmem:s31+$0x18710]  }
0x124: {  	v3 =	vld [tilespmem:s31+$0x18720]  }
0x125: {  	v4 =	vld [tilespmem:s31+$0x18730]  }
0x126: {  	v7 =	vld [tilespmem:s31+$0x18740]  }
0x127: {  	v8 =	vld [tilespmem:s31+$0x18750]  }
0x128: {  	v9 =	vld [tilespmem:s31+$0x18760]  }
0x129: {  	v10 =	vld.idx.msk [tilespmem:v0+s3+$0x0], $0xffff  }
0x12a: {  	v0 =	vld.idx.msk [tilespmem:v1+s3+$0x0], $0xffff  }
0x12b: {  	v6 =	vld.idx.msk [tilespmem:v2+s3+$0x0], $0xffff  }
0x12c: {  	v5 =	vld.idx.msk [tilespmem:v3+s3+$0x0], $0xffff  }
0x12d: {  	v4 =	vld.idx.msk [tilespmem:v4+s3+$0x0], $0xffff  }
0x12e: {  	v3 =	vld.idx.msk [tilespmem:v7+s3+$0x0], $0xffff  }
0x12f: {  	v2 =	vld.idx.msk [tilespmem:v8+s3+$0x0], $0xffff  }
0x130: {  	s0 =	simm.s32 $0x80;
	v1 =	vld.idx.msk [tilespmem:v9+s3+$0x0], $0xffff;
	[tilespmem:s31+$0x1C770] =	vst v0  }
0x131: {  	s2 =	simm.s32 $0x400;
	v0 =	vld [tilespmem:s0+$0x18700];
	[tilespmem:s31+$0x1C700] =	vst v10  }
.LBB2_10:
0x132: {  	p0 =	sne.s32 s2, $0x3E00;
	v7 =	vld [tilespmem:s0+$0x18770];
	[tilespmem:s31+$0x1C710] =	vst v6  }
0x133: {  	v6 =	vld [tilespmem:s0+$0x18710];
	[tilespmem:s31+$0x1C720] =	vst v5  }
0x134: {  	v5 =	vld [tilespmem:s0+$0x18720];
	[tilespmem:s31+$0x1C730] =	vst v4  }
0x135: {  	v4 =	vld [tilespmem:s0+$0x18730];
	[tilespmem:s31+$0x1C740] =	vst v3  }
0x136: {  	v3 =	vld [tilespmem:s0+$0x18740];
	[tilespmem:s31+$0x1C750] =	vst v2  }
0x137: {  	v2 =	vld [tilespmem:s0+$0x18750];
	[tilespmem:s31+$0x1C760] =	vst v1;
	s31 =	smov.u32 s0  }
0x138: {  	v1 =	vld [tilespmem:s31+$0x18760]  }
0x139: {  	v8 =	vld.idx.msk [tilespmem:v0+s3+$0x0], $0xffff  }
0x13a: {  	v0 =	vld.idx.msk [tilespmem:v7+s3+$0x0], $0xffff  }
0x13b: {  	v6 =	vld.idx.msk [tilespmem:v6+s3+$0x0], $0xffff  }
0x13c: {  	v5 =	vld.idx.msk [tilespmem:v5+s3+$0x0], $0xffff  }
.Ltmp4:
0x13d: {  	v4 =	vld.idx.msk [tilespmem:v4+s3+$0x0], $0xffff;
	(pc) =	sbr.rel @p0 .LBB2_10-.Ltmp4, $4  }
0x13e: {  	v3 =	vld.idx.msk [tilespmem:v3+s3+$0x0], $0xffff  }
0x13f: {  	v2 =	vld.idx.msk [tilespmem:v2+s3+$0x0], $0xffff  }
0x140: {  	s0 =	sshra.s32 s2, $0x2;
	v1 =	vld.idx.msk [tilespmem:v1+s3+$0x0], $0xffff;
	[tilespmem:s31+$0x1C770] =	vst v0  }
0x141: {  	s2 =	sadd.s32 $0x200, s2;
	v0 =	vld [tilespmem:s0+$0x18700];
	[tilespmem:s31+$0x1C700] =	vst v8  }
0x142: {  	_ = 	snop  }
0x143: {  	v7 =	vld [tilespmem:s0+$0x18770];
	[tilespmem:s31+$0x1C710] =	vst v6  }
0x144: {  	v6 =	vld [tilespmem:s0+$0x18710];
	[tilespmem:s31+$0x1C720] =	vst v5  }
0x145: {  	v5 =	vld [tilespmem:s0+$0x18720];
	[tilespmem:s31+$0x1C730] =	vst v4  }
0x146: {  	v4 =	vld [tilespmem:s0+$0x18730];
	[tilespmem:s31+$0x1C740] =	vst v3  }
0x147: {  	v3 =	vld [tilespmem:s0+$0x18740];
	[tilespmem:s31+$0x1C750] =	vst v2  }
0x148: {  	v2 =	vld [tilespmem:s0+$0x18750];
	[tilespmem:s31+$0x1C760] =	vst v1  }
0x149: {  	v1 =	vld [tilespmem:s0+$0x18760]  }
0x14a: {  	v0 =	vld.idx.msk [tilespmem:v0+s3+$0x0], $0xffff  }
0x14b: {  	v7 =	vld.idx.msk [tilespmem:v7+s3+$0x0], $0xffff  }
0x14c: {  	v6 =	vld.idx.msk [tilespmem:v6+s3+$0x0], $0xffff  }
0x14d: {  	v5 =	vld.idx.msk [tilespmem:v5+s3+$0x0], $0xffff  }
0x14e: {  	v4 =	vld.idx.msk [tilespmem:v4+s3+$0x0], $0xffff  }
0x14f: {  	v3 =	vld.idx.msk [tilespmem:v3+s3+$0x0], $0xffff  }
0x150: {  	v2 =	vld.idx.msk [tilespmem:v2+s3+$0x0], $0xffff  }
0x151: {  	v1 =	vld.idx.msk [tilespmem:v1+s3+$0x0], $0xffff;
	[tilespmem:s0+$0x1C770] =	vst v7  }
0x152: {  	[tilespmem:s0+$0x1C700] =	vst v0  }
0x153: {  	[tilespmem:s0+$0x1C710] =	vst v6  }
0x154: {  	[tilespmem:s0+$0x1C720] =	vst v5  }
0x155: {  	[tilespmem:s0+$0x1C730] =	vst v4  }
0x156: {  	[tilespmem:s0+$0x1C740] =	vst v3  }
0x157: {  	[tilespmem:s0+$0x1C750] =	vst v2  }
0x158: {  	[tilespmem:s0+$0x1C760] =	vst v1  }
0x159: {  	[hbm4b:s13+s18] =	stream.strided.scatter [tilespmem:s26], [sflag:$0x4], $0x1000, s19, s18, $0x38;
	[tilespmem:$0x1E700] =	vst v63  }
0x15a: {  	_ =	swait.ge [sflag:s29], $0x1000  }
0x15b: {  	[sflag:s29] =	ssyncset.done $0x0  }
0x15c: {  	s31 =	simm.s32 $0x40;
	[sflag:s29] =	ssyncadd.s32 $0xFFFFF000  }
0x15d: {  	v0 =	vld [tilespmem:s31+$0x196C0]  }
0x15e: {  	v1 =	vld [tilespmem:s31+$0x19730]  }
0x15f: {  	v2 =	vld [tilespmem:s31+$0x196D0]  }
0x160: {  	v3 =	vld [tilespmem:s31+$0x196E0]  }
0x161: {  	v4 =	vld [tilespmem:s31+$0x196F0]  }
0x162: {  	v7 =	vld [tilespmem:s31+$0x19700]  }
0x163: {  	v8 =	vld [tilespmem:s31+$0x19710]  }
0x164: {  	v9 =	vld [tilespmem:s31+$0x19720]  }
0x165: {  	v10 =	vld.idx.msk [tilespmem:v0+s3+$0x0], $0xffff  }
0x166: {  	v0 =	vld.idx.msk [tilespmem:v1+s3+$0x0], $0xffff  }
0x167: {  	v6 =	vld.idx.msk [tilespmem:v2+s3+$0x0], $0xffff  }
0x168: {  	v5 =	vld.idx.msk [tilespmem:v3+s3+$0x0], $0xffff  }
0x169: {  	v4 =	vld.idx.msk [tilespmem:v4+s3+$0x0], $0xffff  }
0x16a: {  	v3 =	vld.idx.msk [tilespmem:v7+s3+$0x0], $0xffff  }
0x16b: {  	v2 =	vld.idx.msk [tilespmem:v8+s3+$0x0], $0xffff  }
0x16c: {  	s0 =	simm.s32 $0xC0;
	v1 =	vld.idx.msk [tilespmem:v9+s3+$0x0], $0xffff;
	[tilespmem:s31+$0x1D730] =	vst v0  }
0x16d: {  	s2 =	simm.s32 $0x500;
	v0 =	vld [tilespmem:s0+$0x196C0];
	[tilespmem:s31+$0x1D6C0] =	vst v10  }
.LBB2_12:
0x16e: {  	p0 =	sne.s32 s2, $0x3F00;
	v7 =	vld [tilespmem:s0+$0x19730];
	[tilespmem:s31+$0x1D6D0] =	vst v6  }
0x16f: {  	v6 =	vld [tilespmem:s0+$0x196D0];
	[tilespmem:s31+$0x1D6E0] =	vst v5  }
0x170: {  	v5 =	vld [tilespmem:s0+$0x196E0];
	[tilespmem:s31+$0x1D6F0] =	vst v4  }
0x171: {  	v4 =	vld [tilespmem:s0+$0x196F0];
	[tilespmem:s31+$0x1D700] =	vst v3  }
0x172: {  	v3 =	vld [tilespmem:s0+$0x19700];
	[tilespmem:s31+$0x1D710] =	vst v2  }
0x173: {  	v2 =	vld [tilespmem:s0+$0x19710];
	[tilespmem:s31+$0x1D720] =	vst v1;
	s31 =	smov.u32 s0  }
0x174: {  	v1 =	vld [tilespmem:s31+$0x19720]  }
0x175: {  	v8 =	vld.idx.msk [tilespmem:v0+s3+$0x0], $0xffff  }
0x176: {  	v0 =	vld.idx.msk [tilespmem:v7+s3+$0x0], $0xffff  }
0x177: {  	v6 =	vld.idx.msk [tilespmem:v6+s3+$0x0], $0xffff  }
0x178: {  	v5 =	vld.idx.msk [tilespmem:v5+s3+$0x0], $0xffff  }
.Ltmp5:
0x179: {  	v4 =	vld.idx.msk [tilespmem:v4+s3+$0x0], $0xffff;
	(pc) =	sbr.rel @p0 .LBB2_12-.Ltmp5, $4  }
0x17a: {  	v3 =	vld.idx.msk [tilespmem:v3+s3+$0x0], $0xffff  }
0x17b: {  	v2 =	vld.idx.msk [tilespmem:v2+s3+$0x0], $0xffff  }
0x17c: {  	s0 =	sshra.s32 s2, $0x2;
	v1 =	vld.idx.msk [tilespmem:v1+s3+$0x0], $0xffff;
	[tilespmem:s31+$0x1D730] =	vst v0  }
0x17d: {  	s2 =	sadd.s32 $0x200, s2;
	v0 =	vld [tilespmem:s0+$0x196C0];
	[tilespmem:s31+$0x1D6C0] =	vst v8  }
0x17e: {  	_ = 	snop  }
0x17f: {  	v7 =	vld [tilespmem:s0+$0x19730];
	[tilespmem:s31+$0x1D6D0] =	vst v6  }
0x180: {  	v6 =	vld [tilespmem:s0+$0x196D0];
	[tilespmem:s31+$0x1D6E0] =	vst v5  }
0x181: {  	v5 =	vld [tilespmem:s0+$0x196E0];
	[tilespmem:s31+$0x1D6F0] =	vst v4  }
0x182: {  	v4 =	vld [tilespmem:s0+$0x196F0];
	[tilespmem:s31+$0x1D700] =	vst v3  }
0x183: {  	v3 =	vld [tilespmem:s0+$0x19700];
	[tilespmem:s31+$0x1D710] =	vst v2  }
0x184: {  	v2 =	vld [tilespmem:s0+$0x19710];
	[tilespmem:s31+$0x1D720] =	vst v1  }
0x185: {  	v1 =	vld [tilespmem:s0+$0x19720]  }
0x186: {  	v0 =	vld.idx.msk [tilespmem:v0+s3+$0x0], $0xffff  }
0x187: {  	v7 =	vld.idx.msk [tilespmem:v7+s3+$0x0], $0xffff  }
0x188: {  	v6 =	vld.idx.msk [tilespmem:v6+s3+$0x0], $0xffff  }
0x189: {  	v5 =	vld.idx.msk [tilespmem:v5+s3+$0x0], $0xffff  }
0x18a: {  	v4 =	vld.idx.msk [tilespmem:v4+s3+$0x0], $0xffff  }
0x18b: {  	v3 =	vld.idx.msk [tilespmem:v3+s3+$0x0], $0xffff  }
0x18c: {  	v2 =	vld.idx.msk [tilespmem:v2+s3+$0x0], $0xffff  }
0x18d: {  	v1 =	vld.idx.msk [tilespmem:v1+s3+$0x0], $0xffff;
	[tilespmem:s0+$0x1D730] =	vst v7  }
0x18e: {  	[tilespmem:s0+$0x1D6C0] =	vst v0  }
0x18f: {  	[tilespmem:s0+$0x1D6D0] =	vst v6  }
0x190: {  	[tilespmem:s0+$0x1D6E0] =	vst v5  }
0x191: {  	[tilespmem:s0+$0x1D6F0] =	vst v4  }
0x192: {  	[tilespmem:s0+$0x1D700] =	vst v3  }
0x193: {  	[tilespmem:s0+$0x1D710] =	vst v2  }
0x194: {  	[tilespmem:s0+$0x1D720] =	vst v1  }
0x195: {  	[hbm4b:s14+s18] =	stream.strided.scatter [tilespmem:s28], [sflag:$0x4], $0x1000, s19, s18, $0x38;
	[tilespmem:$0x1E700] =	vst v63  }
0x196: {  	_ =	swait.ge [sflag:s29], $0x1000  }
0x197: {  	[sflag:s29] =	ssyncset.done $0x0  }
0x198: {  	s31 =	simm.s32 $0x0;
	[sflag:s29] =	ssyncadd.s32 $0xFFFFF000  }
0x199: {  	v0 =	vld [tilespmem:s31+$0x1A700]  }
0x19a: {  	v1 =	vld [tilespmem:s31+$0x1A770]  }
0x19b: {  	v2 =	vld [tilespmem:s31+$0x1A710]  }
0x19c: {  	v3 =	vld [tilespmem:s31+$0x1A720]  }
0x19d: {  	v4 =	vld [tilespmem:s31+$0x1A730]  }
0x19e: {  	v7 =	vld [tilespmem:s31+$0x1A740]  }
0x19f: {  	v8 =	vld [tilespmem:s31+$0x1A750]  }
0x1a0: {  	v9 =	vld [tilespmem:s31+$0x1A760]  }
0x1a1: {  	v10 =	vld.idx.msk [tilespmem:v0+s3+$0x0], $0xffff  }
0x1a2: {  	v0 =	vld.idx.msk [tilespmem:v1+s3+$0x0], $0xffff  }
0x1a3: {  	v6 =	vld.idx.msk [tilespmem:v2+s3+$0x0], $0xffff  }
0x1a4: {  	v5 =	vld.idx.msk [tilespmem:v3+s3+$0x0], $0xffff  }
0x1a5: {  	v4 =	vld.idx.msk [tilespmem:v4+s3+$0x0], $0xffff  }
0x1a6: {  	v3 =	vld.idx.msk [tilespmem:v7+s3+$0x0], $0xffff  }
0x1a7: {  	v2 =	vld.idx.msk [tilespmem:v8+s3+$0x0], $0xffff  }
0x1a8: {  	s0 =	simm.s32 $0x80;
	v1 =	vld.idx.msk [tilespmem:v9+s3+$0x0], $0xffff;
	[tilespmem:s31+$0x1C770] =	vst v0  }
0x1a9: {  	s2 =	simm.s32 $0x400;
	v0 =	vld [tilespmem:s0+$0x1A700];
	[tilespmem:s31+$0x1C700] =	vst v10  }
.LBB2_14:
0x1aa: {  	p0 =	sne.s32 s2, $0x3E00;
	v7 =	vld [tilespmem:s0+$0x1A770];
	[tilespmem:s31+$0x1C710] =	vst v6  }
0x1ab: {  	v6 =	vld [tilespmem:s0+$0x1A710];
	[tilespmem:s31+$0x1C720] =	vst v5  }
0x1ac: {  	v5 =	vld [tilespmem:s0+$0x1A720];
	[tilespmem:s31+$0x1C730] =	vst v4  }
0x1ad: {  	v4 =	vld [tilespmem:s0+$0x1A730];
	[tilespmem:s31+$0x1C740] =	vst v3  }
0x1ae: {  	v3 =	vld [tilespmem:s0+$0x1A740];
	[tilespmem:s31+$0x1C750] =	vst v2  }
0x1af: {  	v2 =	vld [tilespmem:s0+$0x1A750];
	[tilespmem:s31+$0x1C760] =	vst v1;
	s31 =	smov.u32 s0  }
0x1b0: {  	v1 =	vld [tilespmem:s31+$0x1A760]  }
0x1b1: {  	v8 =	vld.idx.msk [tilespmem:v0+s3+$0x0], $0xffff  }
0x1b2: {  	v0 =	vld.idx.msk [tilespmem:v7+s3+$0x0], $0xffff  }
0x1b3: {  	v6 =	vld.idx.msk [tilespmem:v6+s3+$0x0], $0xffff  }
0x1b4: {  	v5 =	vld.idx.msk [tilespmem:v5+s3+$0x0], $0xffff  }
.Ltmp6:
0x1b5: {  	v4 =	vld.idx.msk [tilespmem:v4+s3+$0x0], $0xffff;
	(pc) =	sbr.rel @p0 .LBB2_14-.Ltmp6, $4  }
0x1b6: {  	v3 =	vld.idx.msk [tilespmem:v3+s3+$0x0], $0xffff  }
0x1b7: {  	v2 =	vld.idx.msk [tilespmem:v2+s3+$0x0], $0xffff  }
0x1b8: {  	s0 =	sshra.s32 s2, $0x2;
	v1 =	vld.idx.msk [tilespmem:v1+s3+$0x0], $0xffff;
	[tilespmem:s31+$0x1C770] =	vst v0  }
0x1b9: {  	s2 =	sadd.s32 $0x200, s2;
	v0 =	vld [tilespmem:s0+$0x1A700];
	[tilespmem:s31+$0x1C700] =	vst v8  }
0x1ba: {  	_ = 	snop  }
0x1bb: {  	v7 =	vld [tilespmem:s0+$0x1A770];
	[tilespmem:s31+$0x1C710] =	vst v6  }
0x1bc: {  	v6 =	vld [tilespmem:s0+$0x1A710];
	[tilespmem:s31+$0x1C720] =	vst v5  }
0x1bd: {  	v5 =	vld [tilespmem:s0+$0x1A720];
	[tilespmem:s31+$0x1C730] =	vst v4  }
0x1be: {  	v4 =	vld [tilespmem:s0+$0x1A730];
	[tilespmem:s31+$0x1C740] =	vst v3  }
0x1bf: {  	v3 =	vld [tilespmem:s0+$0x1A740];
	[tilespmem:s31+$0x1C750] =	vst v2  }
0x1c0: {  	v2 =	vld [tilespmem:s0+$0x1A750];
	[tilespmem:s31+$0x1C760] =	vst v1  }
0x1c1: {  	v1 =	vld [tilespmem:s0+$0x1A760]  }
0x1c2: {  	v0 =	vld.idx.msk [tilespmem:v0+s3+$0x0], $0xffff  }
0x1c3: {  	v7 =	vld.idx.msk [tilespmem:v7+s3+$0x0], $0xffff  }
0x1c4: {  	v6 =	vld.idx.msk [tilespmem:v6+s3+$0x0], $0xffff  }
0x1c5: {  	v5 =	vld.idx.msk [tilespmem:v5+s3+$0x0], $0xffff  }
0x1c6: {  	v4 =	vld.idx.msk [tilespmem:v4+s3+$0x0], $0xffff  }
0x1c7: {  	v3 =	vld.idx.msk [tilespmem:v3+s3+$0x0], $0xffff  }
0x1c8: {  	v2 =	vld.idx.msk [tilespmem:v2+s3+$0x0], $0xffff  }
0x1c9: {  	v1 =	vld.idx.msk [tilespmem:v1+s3+$0x0], $0xffff;
	[tilespmem:s0+$0x1C770] =	vst v7  }
0x1ca: {  	[tilespmem:s0+$0x1C700] =	vst v0  }
0x1cb: {  	[tilespmem:s0+$0x1C710] =	vst v6  }
0x1cc: {  	[tilespmem:s0+$0x1C720] =	vst v5  }
0x1cd: {  	[tilespmem:s0+$0x1C730] =	vst v4  }
0x1ce: {  	[tilespmem:s0+$0x1C740] =	vst v3  }
0x1cf: {  	[tilespmem:s0+$0x1C750] =	vst v2  }
0x1d0: {  	[tilespmem:s0+$0x1C760] =	vst v1  }
0x1d1: {  	[hbm4b:s15+s18] =	stream.strided.scatter [tilespmem:s26], [sflag:$0x4], $0x1000, s19, s18, $0x38;
	[tilespmem:$0x1E700] =	vst v63  }
0x1d2: {  	_ =	swait.ge [sflag:s29], $0x1000  }
0x1d3: {  	[sflag:s29] =	ssyncset.done $0x0  }
0x1d4: {  	s31 =	simm.s32 $0x40;
	[sflag:s29] =	ssyncadd.s32 $0xFFFFF000  }
0x1d5: {  	v0 =	vld [tilespmem:s31+$0x1B6C0]  }
0x1d6: {  	v1 =	vld [tilespmem:s31+$0x1B730]  }
0x1d7: {  	v2 =	vld [tilespmem:s31+$0x1B6D0]  }
0x1d8: {  	v3 =	vld [tilespmem:s31+$0x1B6E0]  }
0x1d9: {  	v4 =	vld [tilespmem:s31+$0x1B6F0]  }
0x1da: {  	v7 =	vld [tilespmem:s31+$0x1B700]  }
0x1db: {  	v8 =	vld [tilespmem:s31+$0x1B710]  }
0x1dc: {  	v9 =	vld [tilespmem:s31+$0x1B720]  }
0x1dd: {  	v10 =	vld.idx.msk [tilespmem:v0+s3+$0x0], $0xffff  }
0x1de: {  	v0 =	vld.idx.msk [tilespmem:v1+s3+$0x0], $0xffff  }
0x1df: {  	v6 =	vld.idx.msk [tilespmem:v2+s3+$0x0], $0xffff  }
0x1e0: {  	v5 =	vld.idx.msk [tilespmem:v3+s3+$0x0], $0xffff  }
0x1e1: {  	v4 =	vld.idx.msk [tilespmem:v4+s3+$0x0], $0xffff  }
0x1e2: {  	v3 =	vld.idx.msk [tilespmem:v7+s3+$0x0], $0xffff  }
0x1e3: {  	v2 =	vld.idx.msk [tilespmem:v8+s3+$0x0], $0xffff  }
0x1e4: {  	s0 =	simm.s32 $0xC0;
	v1 =	vld.idx.msk [tilespmem:v9+s3+$0x0], $0xffff;
	[tilespmem:s31+$0x1D730] =	vst v0  }
0x1e5: {  	s2 =	simm.s32 $0x500;
	v0 =	vld [tilespmem:s0+$0x1B6C0];
	[tilespmem:s31+$0x1D6C0] =	vst v10  }
.LBB2_16:
0x1e6: {  	p0 =	sne.s32 s2, $0x3F00;
	v7 =	vld [tilespmem:s0+$0x1B730];
	[tilespmem:s31+$0x1D6D0] =	vst v6  }
0x1e7: {  	v6 =	vld [tilespmem:s0+$0x1B6D0];
	[tilespmem:s31+$0x1D6E0] =	vst v5  }
0x1e8: {  	v5 =	vld [tilespmem:s0+$0x1B6E0];
	[tilespmem:s31+$0x1D6F0] =	vst v4  }
0x1e9: {  	v4 =	vld [tilespmem:s0+$0x1B6F0];
	[tilespmem:s31+$0x1D700] =	vst v3  }
0x1ea: {  	v3 =	vld [tilespmem:s0+$0x1B700];
	[tilespmem:s31+$0x1D710] =	vst v2  }
0x1eb: {  	v2 =	vld [tilespmem:s0+$0x1B710];
	[tilespmem:s31+$0x1D720] =	vst v1;
	s31 =	smov.u32 s0  }
0x1ec: {  	v1 =	vld [tilespmem:s31+$0x1B720]  }
0x1ed: {  	v8 =	vld.idx.msk [tilespmem:v0+s3+$0x0], $0xffff  }
0x1ee: {  	v0 =	vld.idx.msk [tilespmem:v7+s3+$0x0], $0xffff  }
0x1ef: {  	v6 =	vld.idx.msk [tilespmem:v6+s3+$0x0], $0xffff  }
0x1f0: {  	v5 =	vld.idx.msk [tilespmem:v5+s3+$0x0], $0xffff  }
.Ltmp7:
0x1f1: {  	v4 =	vld.idx.msk [tilespmem:v4+s3+$0x0], $0xffff;
	(pc) =	sbr.rel @p0 .LBB2_16-.Ltmp7, $4  }
0x1f2: {  	v3 =	vld.idx.msk [tilespmem:v3+s3+$0x0], $0xffff  }
0x1f3: {  	v2 =	vld.idx.msk [tilespmem:v2+s3+$0x0], $0xffff  }
0x1f4: {  	s0 =	sshra.s32 s2, $0x2;
	v1 =	vld.idx.msk [tilespmem:v1+s3+$0x0], $0xffff;
	[tilespmem:s31+$0x1D730] =	vst v0  }
0x1f5: {  	s2 =	sadd.s32 $0x200, s2;
	v0 =	vld [tilespmem:s0+$0x1B6C0];
	[tilespmem:s31+$0x1D6C0] =	vst v8  }
0x1f6: {  	_ = 	snop  }
0x1f7: {  	v7 =	vld [tilespmem:s0+$0x1B730];
	[tilespmem:s31+$0x1D6D0] =	vst v6  }
0x1f8: {  	v6 =	vld [tilespmem:s0+$0x1B6D0];
	[tilespmem:s31+$0x1D6E0] =	vst v5  }
0x1f9: {  	v5 =	vld [tilespmem:s0+$0x1B6E0];
	[tilespmem:s31+$0x1D6F0] =	vst v4  }
0x1fa: {  	v4 =	vld [tilespmem:s0+$0x1B6F0];
	[tilespmem:s31+$0x1D700] =	vst v3  }
0x1fb: {  	v3 =	vld [tilespmem:s0+$0x1B700];
	[tilespmem:s31+$0x1D710] =	vst v2  }
0x1fc: {  	v2 =	vld [tilespmem:s0+$0x1B710];
	[tilespmem:s31+$0x1D720] =	vst v1  }
0x1fd: {  	v1 =	vld [tilespmem:s0+$0x1B720]  }
0x1fe: {  	v0 =	vld.idx.msk [tilespmem:v0+s3+$0x0], $0xffff  }
0x1ff: {  	v7 =	vld.idx.msk [tilespmem:v7+s3+$0x0], $0xffff  }
0x200: {  	v6 =	vld.idx.msk [tilespmem:v6+s3+$0x0], $0xffff  }
0x201: {  	v5 =	vld.idx.msk [tilespmem:v5+s3+$0x0], $0xffff  }
0x202: {  	v4 =	vld.idx.msk [tilespmem:v4+s3+$0x0], $0xffff  }
0x203: {  	v3 =	vld.idx.msk [tilespmem:v3+s3+$0x0], $0xffff  }
0x204: {  	v2 =	vld.idx.msk [tilespmem:v2+s3+$0x0], $0xffff  }
0x205: {  	v1 =	vld.idx.msk [tilespmem:v1+s3+$0x0], $0xffff;
	[tilespmem:s0+$0x1D730] =	vst v7  }
0x206: {  	[tilespmem:s0+$0x1D6C0] =	vst v0  }
0x207: {  	[tilespmem:s0+$0x1D6D0] =	vst v6  }
0x208: {  	[tilespmem:s0+$0x1D6E0] =	vst v5  }
0x209: {  	[tilespmem:s0+$0x1D6F0] =	vst v4  }
0x20a: {  	[tilespmem:s0+$0x1D700] =	vst v3  }
0x20b: {  	[tilespmem:s0+$0x1D710] =	vst v2  }
0x20c: {  	s30 =	sadd.s32 $0x1, s30;
	[tilespmem:s0+$0x1D720] =	vst v1  }
0x20d: {  	[hbm4b:s16+s18] =	stream.strided.scatter [tilespmem:s28], [sflag:$0x4], $0x1000, s19, s18, $0x38;
	[tilespmem:$0x1E700] =	vst v63  }
0x20e: {  	p0 =	sne.s32 s30, s17;
	_ =	swait.ge [sflag:s29], $0x1000  }
.Ltmp8:
0x20f: {  	[sflag:s29] =	ssyncset.done $0x0;
	(pc) =	sbr.rel @p0 .LBB2_1-.Ltmp8, $4  }
0x210: {  	[sflag:s29] =	ssyncadd.s32 $0xFFFFF000  }
0x211: {  	_ =	swait.ge [sflag:s29], $0x1000  }
0x212: {  	[sflag:s29] =	ssyncset.done $0x0  }
0x213: {  	[sflag:s29] =	ssyncadd.s32 $0xFFFFF000  }
0x214: {  	_ =	sfence.sel $0x180000  }
0x215: {  	[bflag:$0x0] =	sbarrier.arrive $0xFFFF  }
0x216: {  	_ =	strace $0x90000047  }
0x217: {  	s0 =	stileid.u32;
	[bflag:$0x2] =	sbarrier.arrive $0xFFFF  }
0x218: {  	p0 =	sne.s32 s0, $0x0;
	s0 =	rddreg [dreg:$0x3]  }
0x219: {  	s0 =	sadd.s32 @!p0 $0x100000, s0  }
0x21a: {  	[sflag:s0] =	ssyncadd.tile.s32 @!p0 $0x1;
	_ =	shalt  }
.Lfunc_end2:
_tile_overlayer_lowered:
.L_overlay_start_2:
0x21b: {  	(tag) =	ssettag $0x2  }
0x21c: {  	s0 =	rddreg [dreg:$0x0];
	s2 =	stileid.u32  }
0x21d: {  	s1 =	rddreg [dreg:$0x1];
	p0 =	sne.s32 s2, $0x0  }
0x21e: {  	s3 =	rddreg [dreg:$0x2];
	[bflag:$0x3] =	sbarrier.arrive $0xFFFF;
	s2 =	simm.s32 @!p0 $0x1C05  }
0x21f: {  	[timem:s3], [sflag:s2] =	dma.local @!p0 [hbm:s0], s1  }
0x220: {  	s0 =	simm.s32 @!p0 $0x5  }
0x221: {  	_ =	swait.ge @!p0 [sflag:s0], s1  }
0x222: {  	s1 =	ssub.s32 @!p0 $0x0, s1;
	[sflag:s0] =	ssyncset.done @!p0 $0x0  }
0x223: {  	[sflag:s0] =	ssyncadd.s32 @!p0 s1  }
0x224: {  	[bflag:$0x3] =	sbarrier.arrive $0xFFFF  }
0x225: {  	_ =	shalt  }

</sc_bundles>
